<compile_context>
chip_gen: v7x
topology: tpu7x:2x2x1
jax: 0.10.2.dev20260603
libtpu: 0.0.44.dev20260713+nightly
codegen_flags: <defaults>
</compile_context>

<pallas_src>
import functools

import jax
import jax.numpy as jnp
from jax import lax
from jax.experimental import pallas as pl
from jax.experimental.pallas import tpu as pltpu
from jax.experimental.pallas import tpu_sc as plsc

ATTR_W = 1.0
REPL_W = 1.0
MARGIN_W = 5.0
THR = 0.5
MARG = 0.2

NUM_INST = 64
ROW_TILE = 256
LOG2E = 1.4426950408889634


def _make_compact_sc(b, n, d):
    mesh = plsc.VectorSubcoreMesh(core_axis_name="c", subcore_axis_name="s")

    @functools.partial(
        pl.kernel,
        mesh=mesh,
        out_type=(
            jax.ShapeDtypeStruct((b * n, d), jnp.float32),
            jax.ShapeDtypeStruct((b, 16), jnp.int32),
        ),
        scratch_types=[
            pltpu.VMEM((n,), jnp.int32),
            pltpu.VMEM((n,), jnp.int32),
            pltpu.VMEM((n, d), jnp.float32),
            pltpu.VMEM((16,), jnp.int32),
            pltpu.SemaphoreType.DMA,
        ],
        compiler_params=pltpu.CompilerParams(use_tc_tiling_on_sc=False),
    )
    def compact(iscp_hbm, emb_hbm, rows_out, cnt_out, flags_v, dst_v, rows_v,
                cnt_v, sem):
        num_cores = 2
        wid = lax.axis_index("s") * num_cores + lax.axis_index("c")

        @pl.when(wid < b)
        def _():
            base = wid * n
            pltpu.sync_copy(iscp_hbm.at[pl.ds(base, n)], flags_v)
            lane = lax.iota(jnp.int32, 16)

            def shift_add(v, k):
                sh = v.at[jnp.maximum(lane - k, 0)].get(
                    mode="promise_in_bounds")
                return v + jnp.where(lane >= k, sh, 0.0)

            def body(i, carry_v):
                f = flags_v[pl.ds(i * 16, 16)].astype(jnp.float32)
                csum = f
                for k in (1, 2, 4, 8):
                    csum = shift_add(csum, k)
                pos = ((carry_v + csum) - f).astype(jnp.int32)
                dst_v[pl.ds(i * 16, 16)] = jnp.where(
                    f > 0.0, base + pos, base + (n - 1))
                tot = csum.at[jnp.full((16,), 15, jnp.int32)].get(
                    mode="promise_in_bounds")
                return carry_v + tot

            cnt_f = lax.fori_loop(0, n // 16, body,
                                  jnp.zeros((16,), jnp.float32))
            cnt_v[...] = cnt_f.astype(jnp.int32)
            pltpu.sync_copy(cnt_v, cnt_out.at[wid])
            pltpu.sync_copy(emb_hbm.at[pl.ds(base, n)], rows_v)
            pltpu.async_copy(rows_v, rows_out.at[dst_v], sem).wait()

    return compact


def _oc_kernel(cnt_ref, beta_ref, emb_ref, sid_ref, iscp_ref, iscp_col_ref,
               comp_ref, out_ref, acc_sm):
    n = emb_ref.shape[1]
    d = emb_ref.shape[2]
    nb = pl.num_programs(0)
    x = beta_ref[0]
    emb = emb_ref[0]
    sid = sid_ref[0]
    iscp = iscp_ref[0]
    pos_col = (iscp_col_ref[0] == 1).astype(jnp.float32)
    comp = comp_ref[0]
    i = pl.program_id(0)
    p_cnt = cnt_ref[i]

    pos = (iscp == 1).astype(jnp.float32)
    neg = 1.0 - pos
    pos_count = jnp.sum(pos)
    neg_count = jnp.sum(neg)
    valid = jnp.where((pos_count >= 1.0) & (neg_count >= 1.0), 1.0, 0.0)

    pw = neg_count / (pos_count + 1e-6)
    sp_neg = jax.nn.softplus(-x)
    sp_pos = jax.nn.softplus(x)
    bce = jnp.sum(pw * pos * sp_neg + neg * sp_pos) / n
    prob = jax.nn.sigmoid(x)
    pos_m = jnp.sum(jax.nn.relu(THR + MARG - prob) * pos) / jnp.maximum(pos_count, 1.0)
    neg_m = jnp.sum(jax.nn.relu(prob - (THR - MARG)) * neg) / jnp.maximum(neg_count, 1.0)
    beta_loss = bce + MARGIN_W * (pos_m + neg_m)

    n2c = jnp.sum(emb * emb, axis=1, keepdims=True)
    inst_iota = jax.lax.broadcasted_iota(jnp.int32, (NUM_INST, n), 0)
    m = (sid == inst_iota).astype(jnp.float32)
    ones_col = jnp.ones((n, 1), jnp.float32)
    emb_aug = jnp.concatenate([emb, n2c, ones_col], axis=1)
    s_aug = jnp.dot(m, emb_aug, preferred_element_type=jnp.float32)
    s1 = s_aug[:, :d]
    s2 = s_aug[:, d]
    cnt = s_aug[:, d + 1]

    col_iota = jax.lax.broadcasted_iota(jnp.int32, (NUM_INST, n), 1)
    cp_inst = (m > 0.0) & (pos > 0.0)
    first = jnp.min(jnp.where(cp_inst, col_iota, n), axis=1)
    has_cp = first < n
    first_c = jnp.where(has_cp, first, 0)
    pick = (col_iota == first_c[:, None]).astype(jnp.float32)
    cp_ref = jnp.dot(pick, emb, preferred_element_type=jnp.float32)
    cp_n2 = jnp.sum(cp_ref * cp_ref, axis=1)

    mean_d2 = (s2 - 2.0 * jnp.sum(cp_ref * s1, axis=1) + cnt * cp_n2) / jnp.maximum(cnt, 1.0)
    attraction = jnp.sum(jnp.where(has_cp, mean_d2, 0.0)) * ATTR_W

    row_iota_col = jax.lax.broadcasted_iota(jnp.int32, (n, 1), 0)
    live = row_iota_col < p_cnt
    comp = jnp.where(live, comp, 0.0)
    c2c = jnp.sum(comp * comp, axis=1, keepdims=True)
    c_shift = 0.5 * jnp.max(c2c)
    cs = comp * jnp.float32((2.0 * LOG2E) ** 0.5)
    nc = jnp.where(live, LOG2E * (c2c + c_shift), jnp.float32(1.0e9))
    lu = jnp.where(live, LOG2E * (c_shift - c2c), jnp.float32(-1.0e9))
    row_aug = jnp.concatenate([cs, lu, ones_col], axis=1)
    col_aug = jnp.concatenate([cs, ones_col, -nc], axis=1)

    ri = jax.lax.broadcasted_iota(jnp.int32, (ROW_TILE, ROW_TILE), 0)
    ci = jax.lax.broadcasted_iota(jnp.int32, (ROW_TILE, ROW_TILE), 1)
    diag_mask = (ci > ri).astype(jnp.float32)

    acc_sm[0] = 0.0
    for t in range(n // ROW_TILE):
        for u in range(t, n // ROW_TILE):
            @pl.when(u * ROW_TILE < p_cnt)
            def _(t=t, u=u):
                et = row_aug[t * ROW_TILE:(t + 1) * ROW_TILE, :]
                ec = col_aug[u * ROW_TILE:(u + 1) * ROW_TILE, :]
                ex = jax.lax.dot_general(et, ec, (((1,), (1,)), ((), ())),
                                         preferred_element_type=jnp.float32)
                w = jnp.exp2(ex)
                if u == t:
                    w = w * diag_mask
                acc_sm[0] = acc_sm[0] + jnp.sum(w)

    pair_sum = pos_count + 2.0 * acc_sm[0]
    repulsion = jnp.where(
        pos_count > 1.0,
        pair_sum / jnp.maximum(pos_count * pos_count, 1.0),
        0.0,
    ) * REPL_W

    lane = jax.lax.broadcasted_iota(jnp.int32, (1, 128), 1)
    total_b = valid * (beta_loss + attraction + repulsion)
    outvec = (
        jnp.where(lane == 0, total_b, 0.0)
        + jnp.where(lane == 1, valid * beta_loss, 0.0)
        + jnp.where(lane == 2, valid * attraction, 0.0)
        + jnp.where(lane == 3, valid * repulsion, 0.0)
        + jnp.where(lane == 4, valid, 0.0)
    )

    @pl.when(i == 0)
    def _():
        out_ref[0] = outvec

    @pl.when(i > 0)
    def _():
        acc = out_ref[0] + outvec

        @pl.when(i == nb - 1)
        def _():
            count = jnp.sum(jnp.where(lane == 4, acc, 0.0))
            denom = jnp.maximum(count, 1.0)
            scale = jnp.where(count > 0.0, 1.0 / denom, 0.0)
            out_ref[0] = acc * scale

        @pl.when(i < nb - 1)
        def _():
            out_ref[0] = acc


@functools.partial(jax.jit, static_argnames=())
def kernel(beta, embed, slice_id, is_cp):
    b, n, d = embed.shape
    beta_s = jnp.reshape(beta, (b, 1, n))
    sid = jnp.reshape(slice_id.astype(jnp.int32), (b, 1, n))
    iscp = jnp.reshape(is_cp.astype(jnp.int32), (b, 1, n))
    iscp_col = jnp.reshape(is_cp.astype(jnp.int32), (b, n, 1))

    iscp_flat = jnp.reshape(is_cp.astype(jnp.int32), (b * n,))
    emb_flat = jnp.reshape(embed, (b * n, d))
    comp_flat, cnt16 = _make_compact_sc(b, n, d)(iscp_flat, emb_flat)
    comp = jnp.reshape(comp_flat, (b, n, d))
    counts = cnt16[:, 0]

    acc = pl.pallas_call(
        _oc_kernel,
        grid_spec=pltpu.PrefetchScalarGridSpec(
            num_scalar_prefetch=1,
            grid=(b,),
            in_specs=[
                pl.BlockSpec((1, 1, n), lambda i, c: (i, 0, 0)),
                pl.BlockSpec((1, n, d), lambda i, c: (i, 0, 0)),
                pl.BlockSpec((1, 1, n), lambda i, c: (i, 0, 0)),
                pl.BlockSpec((1, 1, n), lambda i, c: (i, 0, 0)),
                pl.BlockSpec((1, n, 1), lambda i, c: (i, 0, 0)),
                pl.BlockSpec((1, n, d), lambda i, c: (i, 0, 0)),
            ],
            out_specs=pl.BlockSpec((1, 1, 128), lambda i, c: (0, 0, 0)),
            scratch_shapes=[pltpu.SMEM((1,), jnp.float32)],
        ),
        out_shape=jax.ShapeDtypeStruct((1, 1, 128), jnp.float32),
    )(counts, beta_s, embed, sid, iscp, iscp_col, comp)

    v = acc[0, 0]
    return (v[0], v[1], v[2], v[3])

# --- scband reference (transcript-rebuilt; emitter-appended) ---
"""Pipeline reference for scband-object-condensation-loss-66967130079579 (READ-ONLY COPY).

The authoritative reference and input builder live on the scoring server;
editing this copy changes nothing except your own understanding.
"""

import jax, jax.numpy as jnp
import numpy as np

ATTR_W = 1.0
REPL_W = 1.0
MARGIN_W = 5.0
THR = 0.5
MARG = 0.2


def setup_inputs(seed: int = 0) -> dict:
    key = jax.random.key(seed)
    k1, k2, k3, k4 = jax.random.split(key, 4)
    beta = jax.random.normal(k1, (8, 2048, 1), dtype=jnp.float32)
    embed = jax.random.normal(k2, (8, 2048, 32), dtype=jnp.float32)
    slice_id = jax.random.randint(k3, (8, 2048), 0, 64)
    is_cp = jax.random.randint(k4, (8, 2048), 0, 2)
    return {"beta": beta, "embed": embed, "slice_id": slice_id, "is_cp": is_cp}


def reference(beta, embed, slice_id, is_cp):
    beta_s = jnp.squeeze(beta, -1)
    B, N, D = embed.shape
    NUM_INST = 64
    insts = jnp.arange(NUM_INST)
    total = jnp.float32(0.0)
    beta_log = jnp.float32(0.0)
    attr_log = jnp.float32(0.0)
    repl_log = jnp.float32(0.0)
    count = jnp.float32(0.0)
    for b in range(B):
        cp_mask = is_cp[b] == 1
        noncp_mask = ~cp_mask
        pos_f = cp_mask.astype(jnp.float32)
        neg_f = noncp_mask.astype(jnp.float32)
        pos_count = jnp.sum(pos_f)
        neg_count = jnp.sum(neg_f)
        valid_f = ((pos_count >= 1.0) & (neg_count >= 1.0)).astype(jnp.float32)
        x = beta_s[b]
        labels = pos_f
        pw = neg_count / (pos_count + 1e-06)
        bce = jnp.mean(pw * labels * jax.nn.softplus(-x) + (1.0 - labels) * jax.nn.softplus(x))
        prob = jax.nn.sigmoid(x)
        pos_m = jnp.sum(jax.nn.relu(THR + MARG - prob) * pos_f) / jnp.maximum(pos_count, 1.0)
        neg_m = jnp.sum(jax.nn.relu(prob - (THR - MARG)) * neg_f) / jnp.maximum(neg_count, 1.0)
        beta_loss = bce + MARGIN_W * (pos_m + neg_m)
        emb_b = embed[b]
        sid = slice_id[b]
        inst_mask = sid[None, :] == insts[:, None]
        cp_inst = inst_mask & cp_mask[None, :]
        has_cp = jnp.any(cp_inst, axis=1)
        first_cp = jnp.argmax(cp_inst, axis=1)
        cp_ref = emb_b[first_cp]
        d2 = jnp.sum((emb_b[None, :, :] - cp_ref[:, None, :]) ** 2, axis=2)
        inst_f = inst_mask.astype(jnp.float32)
        inst_cnt = jnp.sum(inst_f, axis=1)
        mean_d2 = jnp.sum(d2 * inst_f, axis=1) / jnp.maximum(inst_cnt, 1.0)
        attraction = jnp.sum(jnp.where(has_cp, mean_d2, jnp.float32(0.0))) * ATTR_W

        def rep_body(i, acc):
            dd = jnp.sum((emb_b - emb_b[i]) ** 2, axis=1)
            return acc + jnp.sum(jnp.exp(-dd) * pos_f) * pos_f[i]

        pair_sum = jax.lax.fori_loop(0, N, rep_body, jnp.float32(0.0))
        repulsion = jnp.where(
            pos_count > 1.0,
            pair_sum / jnp.maximum(pos_count * pos_count, 1.0),
            jnp.float32(0.0),
        ) * REPL_W
        total = total + valid_f * (beta_loss + attraction + repulsion)
        beta_log = beta_log + valid_f * jax.lax.stop_gradient(beta_loss)
        attr_log = attr_log + valid_f * jax.lax.stop_gradient(jnp.asarray(attraction, dtype=jnp.float32))
        repl_log = repl_log + valid_f * jax.lax.stop_gradient(jnp.asarray(repulsion, dtype=jnp.float32))
        count = count + valid_f
    denom = jnp.maximum(count, 1.0)
    z = jnp.float32(0.0)
    return (
        jnp.where(count > 0.0, total / denom, z),
        jnp.where(count > 0.0, beta_log / denom, z),
        jnp.where(count > 0.0, attr_log / denom, z),
        jnp.where(count > 0.0, repl_log / denom, z),
    )

if __name__ == "__main__":
    import jax
    _d = setup_inputs()
    print(jax.jit(kernel)(*tuple(_d.values())))

</pallas_src>

<mosaic_0001>
#map = affine_map<(d0, d1) -> (0)>
#map1 = affine_map<(d0, d1) -> (0, 0)>
module attributes {stable_mosaic.version = 14 : i64} {
  func.func @compact(%arg0: i32, %arg1: i32, %arg2: memref<16384xi32, #tpu.memory_space<hbm>>, %arg3: memref<16384x32xf32, #tpu.memory_space<hbm>>, %arg4: memref<16384x32xf32, #tpu.memory_space<hbm>>, %arg5: memref<8x16xi32, #tpu.memory_space<hbm>>, %arg6: memref<2048xi32, #tpu.memory_space<vmem>>, %arg7: memref<2048xi32, #tpu.memory_space<vmem>>, %arg8: memref<2048x32xf32, #tpu.memory_space<vmem>>, %arg9: memref<16xi32, #tpu.memory_space<vmem>>, %arg10: memref<!tpu.dma_semaphore, #tpu.memory_space<semaphore_mem>>) attributes {dimension_semantics = [#tpu.dimension_semantics<core_parallel>, #tpu.dimension_semantics<subcore_parallel>], iteration_bounds = array<i64: 2, 16>, scalar_prefetch = 0 : i64, scratch_operands = 5 : i64, tpu.core_type = #tpu.core_type<sc_vector_subcore>, window_params = [{transform_indices = #map}, {transform_indices = #map1}, {transform_indices = #map1}, {transform_indices = #map1}]} {
    %mul3A = arith.constant 2 : i32
    %mul3A_0 = arith.muli %arg1, %mul3A : i32
    %add3A = arith.addi %mul3A_0, %arg0 : i32
    %lt3A = arith.constant 8 : i32
    %lt3A_1 = arith.cmpi slt, %add3A, %lt3A : i32
    %convert_element_type3A = arith.extui %lt3A_1 : i1 to i32
    %cond3A = arith.constant 0 : i32
    %cond3A_2 = arith.cmpi ne, %convert_element_type3A, %cond3A : i32
    scf.if %cond3A_2 {
      %mul3A_3 = arith.constant 2048 : i32
      %mul3A_4 = arith.muli %add3A, %mul3A_3 : i32
      "tpu.region"() ({
        %run_scoped3A = tpu.sem_alloc : memref<!tpu.dma_semaphore, #tpu.memory_space<semaphore_mem>>
        %dma_start3A_19 = tpu.memref_slice %arg2[%mul3A_4] : memref<16384xi32, #tpu.memory_space<hbm>> -> memref<2048xi32, #tpu.memory_space<hbm>>
        %dma_start3A_20 = tpu.memref_slice %arg2[%mul3A_4] : memref<16384xi32, #tpu.memory_space<hbm>> -> memref<2048xi32, #tpu.memory_space<hbm>>
        tpu.enqueue_dma source(%dma_start3A_20 : memref<2048xi32, #tpu.memory_space<hbm>>) target(%arg6 : memref<2048xi32, #tpu.memory_space<vmem>>) target_semaphore(%run_scoped3A : memref<!tpu.dma_semaphore, #tpu.memory_space<semaphore_mem>>)
        %dma_wait3A_21 = tpu.memref_slice %arg2[%mul3A_4] : memref<16384xi32, #tpu.memory_space<hbm>> -> memref<2048xi32, #tpu.memory_space<hbm>>
        %dma_wait3A_22 = tpu.memref_slice %arg2[%mul3A_4] : memref<16384xi32, #tpu.memory_space<hbm>> -> memref<2048xi32, #tpu.memory_space<hbm>>
        tpu.wait_dma2 semaphore(%run_scoped3A : memref<!tpu.dma_semaphore, #tpu.memory_space<semaphore_mem>>) src(%dma_wait3A_22 : memref<2048xi32, #tpu.memory_space<hbm>>) dst(%arg6 : memref<2048xi32, #tpu.memory_space<vmem>>)
        tpu.yield
      }) : () -> ()
      %iota3A = tpu.iota {dimensions = array<i32: 0>} : vector<16xi32>
      %broadcast_in_dim3A = arith.constant 0.000000e+00 : f32
      %broadcast_in_dim3A_5 = vector.broadcast %broadcast_in_dim3A : f32 to vector<16xf32>
      %scan3A = arith.constant 0 : i32
      %scan3A_6 = arith.constant 128 : i32
      %scan3A_7 = arith.addi %scan3A, %scan3A_6 : i32
      %scan3A_8 = arith.constant 1 : i32
      %scan3A_9 = scf.for %scan3A_19 = %scan3A to %scan3A_7 step %scan3A_8 iter_args(%scan3A_20 = %broadcast_in_dim3A_5) -> (vector<16xf32>)  : i32 {
        %mul3A_21 = arith.constant 16 : i32
        %mul3A_22 = arith.muli %scan3A_19, %mul3A_21 : i32
        %get3A = arith.index_cast %mul3A_22 : i32 to index
        %get3A_23 = tpu.vector_load %arg6[%get3A] {strides = array<i32>} : memref<2048xi32, #tpu.memory_space<vmem>>, vector<16xi32>,
        %get3A_24 = vector.shape_cast %get3A_23 : vector<16xi32> to vector<16xi32>
        %convert_element_type3A_25 = arith.sitofp %get3A_24 : vector<16xi32> to vector<16xf32>
        %sub3A = arith.constant 1 : i32
        %sub3A_26 = vector.broadcast %sub3A : i32 to vector<16xi32>
        %sub3A_27 = arith.subi %iota3A, %sub3A_26 : vector<16xi32>
        %max3A = arith.constant 0 : i32
        %max3A_28 = vector.broadcast %max3A : i32 to vector<16xi32>
        %max3A_29 = arith.maxsi %sub3A_27, %max3A_28 : vector<16xi32>
        %lt3A_30 = arith.constant 0 : i32
        %lt3A_31 = vector.broadcast %lt3A_30 : i32 to vector<16xi32>
        %lt3A_32 = arith.cmpi slt, %max3A_29, %lt3A_31 : vector<16xi32>
        %add3A_33 = arith.constant 16 : i32
        %add3A_34 = vector.broadcast %add3A_33 : i32 to vector<16xi32>
        %add3A_35 = arith.addi %max3A_29, %add3A_34 : vector<16xi32>
        %select_n3A = arith.select %lt3A_32, %add3A_35, %max3A_29 : vector<16xi1>, vector<16xi32>
        %broadcast_in_dim3A_36 = vector.shape_cast %select_n3A : vector<16xi32> to vector<16x1xi32>
        %gather3A = vector.shape_cast %broadcast_in_dim3A_36 : vector<16x1xi32> to vector<16xi32>
        %gather3A_37 = tpu.dynamic_gather %convert_element_type3A_25[%gather3A] in [0] : vector<16xf32>, vector<16xi32> -> vector<16xf32>
        %ge3A = arith.constant 1 : i32
        %ge3A_38 = vector.broadcast %ge3A : i32 to vector<16xi32>
        %ge3A_39 = arith.cmpi sge, %iota3A, %ge3A_38 : vector<16xi32>
        %jit3A = arith.constant 0.000000e+00 : f32
        %broadcast_in_dim3A_40 = vector.broadcast %jit3A : f32 to vector<16xf32>
        %select_n3A_41 = arith.select %ge3A_39, %gather3A_37, %broadcast_in_dim3A_40 : vector<16xi1>, vector<16xf32>
        %add3A_42 = arith.addf %convert_element_type3A_25, %select_n3A_41 : vector<16xf32>
        %sub3A_43 = arith.constant 2 : i32
        %sub3A_44 = vector.broadcast %sub3A_43 : i32 to vector<16xi32>
        %sub3A_45 = arith.subi %iota3A, %sub3A_44 : vector<16xi32>
        %max3A_46 = arith.constant 0 : i32
        %max3A_47 = vector.broadcast %max3A_46 : i32 to vector<16xi32>
        %max3A_48 = arith.maxsi %sub3A_45, %max3A_47 : vector<16xi32>
        %lt3A_49 = arith.constant 0 : i32
        %lt3A_50 = vector.broadcast %lt3A_49 : i32 to vector<16xi32>
        %lt3A_51 = arith.cmpi slt, %max3A_48, %lt3A_50 : vector<16xi32>
        %add3A_52 = arith.constant 16 : i32
        %add3A_53 = vector.broadcast %add3A_52 : i32 to vector<16xi32>
        %add3A_54 = arith.addi %max3A_48, %add3A_53 : vector<16xi32>
        %select_n3A_55 = arith.select %lt3A_51, %add3A_54, %max3A_48 : vector<16xi1>, vector<16xi32>
        %broadcast_in_dim3A_56 = vector.shape_cast %select_n3A_55 : vector<16xi32> to vector<16x1xi32>
        %gather3A_57 = vector.shape_cast %broadcast_in_dim3A_56 : vector<16x1xi32> to vector<16xi32>
        %gather3A_58 = tpu.dynamic_gather %add3A_42[%gather3A_57] in [0] : vector<16xf32>, vector<16xi32> -> vector<16xf32>
        %ge3A_59 = arith.constant 2 : i32
        %ge3A_60 = vector.broadcast %ge3A_59 : i32 to vector<16xi32>
        %ge3A_61 = arith.cmpi sge, %iota3A, %ge3A_60 : vector<16xi32>
        %jit3A_62 = arith.constant 0.000000e+00 : f32
        %broadcast_in_dim3A_63 = vector.broadcast %jit3A_62 : f32 to vector<16xf32>
        %select_n3A_64 = arith.select %ge3A_61, %gather3A_58, %broadcast_in_dim3A_63 : vector<16xi1>, vector<16xf32>
        %add3A_65 = arith.addf %add3A_42, %select_n3A_64 : vector<16xf32>
        %sub3A_66 = arith.constant 4 : i32
        %sub3A_67 = vector.broadcast %sub3A_66 : i32 to vector<16xi32>
        %sub3A_68 = arith.subi %iota3A, %sub3A_67 : vector<16xi32>
        %max3A_69 = arith.constant 0 : i32
        %max3A_70 = vector.broadcast %max3A_69 : i32 to vector<16xi32>
        %max3A_71 = arith.maxsi %sub3A_68, %max3A_70 : vector<16xi32>
        %lt3A_72 = arith.constant 0 : i32
        %lt3A_73 = vector.broadcast %lt3A_72 : i32 to vector<16xi32>
        %lt3A_74 = arith.cmpi slt, %max3A_71, %lt3A_73 : vector<16xi32>
        %add3A_75 = arith.constant 16 : i32
        %add3A_76 = vector.broadcast %add3A_75 : i32 to vector<16xi32>
        %add3A_77 = arith.addi %max3A_71, %add3A_76 : vector<16xi32>
        %select_n3A_78 = arith.select %lt3A_74, %add3A_77, %max3A_71 : vector<16xi1>, vector<16xi32>
        %broadcast_in_dim3A_79 = vector.shape_cast %select_n3A_78 : vector<16xi32> to vector<16x1xi32>
        %gather3A_80 = vector.shape_cast %broadcast_in_dim3A_79 : vector<16x1xi32> to vector<16xi32>
        %gather3A_81 = tpu.dynamic_gather %add3A_65[%gather3A_80] in [0] : vector<16xf32>, vector<16xi32> -> vector<16xf32>
        %ge3A_82 = arith.constant 4 : i32
        %ge3A_83 = vector.broadcast %ge3A_82 : i32 to vector<16xi32>
        %ge3A_84 = arith.cmpi sge, %iota3A, %ge3A_83 : vector<16xi32>
        %jit3A_85 = arith.constant 0.000000e+00 : f32
        %broadcast_in_dim3A_86 = vector.broadcast %jit3A_85 : f32 to vector<16xf32>
        %select_n3A_87 = arith.select %ge3A_84, %gather3A_81, %broadcast_in_dim3A_86 : vector<16xi1>, vector<16xf32>
        %add3A_88 = arith.addf %add3A_65, %select_n3A_87 : vector<16xf32>
        %sub3A_89 = arith.constant 8 : i32
        %sub3A_90 = vector.broadcast %sub3A_89 : i32 to vector<16xi32>
        %sub3A_91 = arith.subi %iota3A, %sub3A_90 : vector<16xi32>
        %max3A_92 = arith.constant 0 : i32
        %max3A_93 = vector.broadcast %max3A_92 : i32 to vector<16xi32>
        %max3A_94 = arith.maxsi %sub3A_91, %max3A_93 : vector<16xi32>
        %lt3A_95 = arith.constant 0 : i32
        %lt3A_96 = vector.broadcast %lt3A_95 : i32 to vector<16xi32>
        %lt3A_97 = arith.cmpi slt, %max3A_94, %lt3A_96 : vector<16xi32>
        %add3A_98 = arith.constant 16 : i32
        %add3A_99 = vector.broadcast %add3A_98 : i32 to vector<16xi32>
        %add3A_100 = arith.addi %max3A_94, %add3A_99 : vector<16xi32>
        %select_n3A_101 = arith.select %lt3A_97, %add3A_100, %max3A_94 : vector<16xi1>, vector<16xi32>
        %broadcast_in_dim3A_102 = vector.shape_cast %select_n3A_101 : vector<16xi32> to vector<16x1xi32>
        %gather3A_103 = vector.shape_cast %broadcast_in_dim3A_102 : vector<16x1xi32> to vector<16xi32>
        %gather3A_104 = tpu.dynamic_gather %add3A_88[%gather3A_103] in [0] : vector<16xf32>, vector<16xi32> -> vector<16xf32>
        %ge3A_105 = arith.constant 8 : i32
        %ge3A_106 = vector.broadcast %ge3A_105 : i32 to vector<16xi32>
        %ge3A_107 = arith.cmpi sge, %iota3A, %ge3A_106 : vector<16xi32>
        %jit3A_108 = arith.constant 0.000000e+00 : f32
        %broadcast_in_dim3A_109 = vector.broadcast %jit3A_108 : f32 to vector<16xf32>
        %select_n3A_110 = arith.select %ge3A_107, %gather3A_104, %broadcast_in_dim3A_109 : vector<16xi1>, vector<16xf32>
        %add3A_111 = arith.addf %add3A_88, %select_n3A_110 : vector<16xf32>
        %add3A_112 = arith.addf %scan3A_20, %add3A_111 : vector<16xf32>
        %sub3A_113 = arith.subf %add3A_112, %convert_element_type3A_25 : vector<16xf32>
        %convert_element_type3A_114 = arith.fptosi %sub3A_113 : vector<16xf32> to vector<16xi32>
        %gt3A = arith.constant 0.000000e+00 : f32
        %gt3A_115 = vector.broadcast %gt3A : f32 to vector<16xf32>
        %gt3A_116 = arith.cmpf ogt, %convert_element_type3A_25, %gt3A_115 : vector<16xf32>
        %add3A_117 = vector.broadcast %mul3A_4 : i32 to vector<16xi32>
        %add3A_118 = arith.addi %add3A_117, %convert_element_type3A_114 : vector<16xi32>
        %add3A_119 = arith.constant 2047 : i32
        %add3A_120 = arith.addi %mul3A_4, %add3A_119 : i32
        %broadcast_in_dim3A_121 = vector.broadcast %add3A_120 : i32 to vector<16xi32>
        %select_n3A_122 = arith.select %gt3A_116, %add3A_118, %broadcast_in_dim3A_121 : vector<16xi1>, vector<16xi32>
        %mul3A_123 = arith.constant 16 : i32
        %mul3A_124 = arith.muli %scan3A_19, %mul3A_123 : i32
        %swap3A_125 = arith.index_cast %mul3A_124 : i32 to index
        %swap3A_126 = tpu.vector_load %arg7[%swap3A_125] {strides = array<i32>} : memref<2048xi32, #tpu.memory_space<vmem>>, vector<16xi32>,
        %swap3A_127 = vector.shape_cast %swap3A_126 : vector<16xi32> to vector<16xi32>
        %swap3A_128 = vector.shape_cast %select_n3A_122 : vector<16xi32> to vector<16xi32>
        tpu.vector_store %arg7[%swap3A_125], %swap3A_128 {strides = array<i32>} : memref<2048xi32, #tpu.memory_space<vmem>>, vector<16xi32>,
        %broadcast_in_dim3A_129 = arith.constant 15 : i32
        %broadcast_in_dim3A_130 = vector.broadcast %broadcast_in_dim3A_129 : i32 to vector<16xi32>
        %lt3A_131 = arith.constant 0 : i32
        %lt3A_132 = vector.broadcast %lt3A_131 : i32 to vector<16xi32>
        %lt3A_133 = arith.cmpi slt, %broadcast_in_dim3A_130, %lt3A_132 : vector<16xi32>
        %add3A_134 = arith.constant 16 : i32
        %add3A_135 = vector.broadcast %add3A_134 : i32 to vector<16xi32>
        %add3A_136 = arith.addi %broadcast_in_dim3A_130, %add3A_135 : vector<16xi32>
        %select_n3A_137 = arith.select %lt3A_133, %add3A_136, %broadcast_in_dim3A_130 : vector<16xi1>, vector<16xi32>
        %broadcast_in_dim3A_138 = vector.shape_cast %select_n3A_137 : vector<16xi32> to vector<16x1xi32>
        %gather3A_139 = vector.shape_cast %broadcast_in_dim3A_138 : vector<16x1xi32> to vector<16xi32>
        %gather3A_140 = tpu.dynamic_gather %add3A_111[%gather3A_139] in [0] : vector<16xf32>, vector<16xi32> -> vector<16xf32>
        %add3A_141 = arith.addf %scan3A_20, %gather3A_140 : vector<16xf32>
        scf.yield %add3A_141 : vector<16xf32>
      }
      %scan3A_10 = arith.constant 128 : i32
      %convert_element_type3A_11 = arith.fptosi %scan3A_9 : vector<16xf32> to vector<16xi32>
      %swap3A = arith.constant 0 : index
      %swap3A_12 = tpu.vector_load %arg9[%swap3A] {strides = array<i32>} : memref<16xi32, #tpu.memory_space<vmem>>, vector<16xi32>,
      %swap3A_13 = vector.shape_cast %swap3A_12 : vector<16xi32> to vector<16xi32>
      %swap3A_14 = vector.shape_cast %convert_element_type3A_11 : vector<16xi32> to vector<16xi32>
      tpu.vector_store %arg9[%swap3A], %swap3A_14 {strides = array<i32>} : memref<16xi32, #tpu.memory_space<vmem>>, vector<16xi32>,
      "tpu.region"() ({
        %run_scoped3A = tpu.sem_alloc : memref<!tpu.dma_semaphore, #tpu.memory_space<semaphore_mem>>
        %dma_start3A_19 = arith.constant 0 : i32
        %dma_start3A_20 = tpu.memref_slice %arg5[%add3A, %dma_start3A_19] : memref<8x16xi32, #tpu.memory_space<hbm>> -> memref<1x16xi32, #tpu.memory_space<hbm>>
        %dma_start3A_21 = tpu.memref_squeeze %dma_start3A_20 : memref<1x16xi32, #tpu.memory_space<hbm>> -> memref<16xi32, #tpu.memory_space<hbm>>
        %dma_start3A_22 = arith.constant 0 : i32
        %dma_start3A_23 = tpu.memref_slice %arg5[%add3A, %dma_start3A_22] : memref<8x16xi32, #tpu.memory_space<hbm>> -> memref<1x16xi32, #tpu.memory_space<hbm>>
        %dma_start3A_24 = tpu.memref_squeeze %dma_start3A_23 : memref<1x16xi32, #tpu.memory_space<hbm>> -> memref<16xi32, #tpu.memory_space<hbm>>
        tpu.enqueue_dma source(%arg9 : memref<16xi32, #tpu.memory_space<vmem>>) target(%dma_start3A_24 : memref<16xi32, #tpu.memory_space<hbm>>) target_semaphore(%run_scoped3A : memref<!tpu.dma_semaphore, #tpu.memory_space<semaphore_mem>>)
        %dma_wait3A_25 = arith.constant 0 : i32
        %dma_wait3A_26 = tpu.memref_slice %arg5[%add3A, %dma_wait3A_25] : memref<8x16xi32, #tpu.memory_space<hbm>> -> memref<1x16xi32, #tpu.memory_space<hbm>>
        %dma_wait3A_27 = tpu.memref_squeeze %dma_wait3A_26 : memref<1x16xi32, #tpu.memory_space<hbm>> -> memref<16xi32, #tpu.memory_space<hbm>>
        %dma_wait3A_28 = arith.constant 0 : i32
        %dma_wait3A_29 = tpu.memref_slice %arg5[%add3A, %dma_wait3A_28] : memref<8x16xi32, #tpu.memory_space<hbm>> -> memref<1x16xi32, #tpu.memory_space<hbm>>
        %dma_wait3A_30 = tpu.memref_squeeze %dma_wait3A_29 : memref<1x16xi32, #tpu.memory_space<hbm>> -> memref<16xi32, #tpu.memory_space<hbm>>
        tpu.wait_dma2 semaphore(%run_scoped3A : memref<!tpu.dma_semaphore, #tpu.memory_space<semaphore_mem>>) src(%arg9 : memref<16xi32, #tpu.memory_space<vmem>>) dst(%dma_wait3A_30 : memref<16xi32, #tpu.memory_space<hbm>>)
        tpu.yield
      }) : () -> ()
      "tpu.region"() ({
        %run_scoped3A = tpu.sem_alloc : memref<!tpu.dma_semaphore, #tpu.memory_space<semaphore_mem>>
        %dma_start3A_19 = arith.constant 0 : i32
        %dma_start3A_20 = tpu.memref_slice %arg3[%mul3A_4, %dma_start3A_19] : memref<16384x32xf32, #tpu.memory_space<hbm>> -> memref<2048x32xf32, #tpu.memory_space<hbm>>
        %dma_start3A_21 = arith.constant 0 : i32
        %dma_start3A_22 = tpu.memref_slice %arg3[%mul3A_4, %dma_start3A_21] : memref<16384x32xf32, #tpu.memory_space<hbm>> -> memref<2048x32xf32, #tpu.memory_space<hbm>>
        tpu.enqueue_dma source(%dma_start3A_22 : memref<2048x32xf32, #tpu.memory_space<hbm>>) target(%arg8 : memref<2048x32xf32, #tpu.memory_space<vmem>>) target_semaphore(%run_scoped3A : memref<!tpu.dma_semaphore, #tpu.memory_space<semaphore_mem>>)
        %dma_wait3A_23 = arith.constant 0 : i32
        %dma_wait3A_24 = tpu.memref_slice %arg3[%mul3A_4, %dma_wait3A_23] : memref<16384x32xf32, #tpu.memory_space<hbm>> -> memref<2048x32xf32, #tpu.memory_space<hbm>>
        %dma_wait3A_25 = arith.constant 0 : i32
        %dma_wait3A_26 = tpu.memref_slice %arg3[%mul3A_4, %dma_wait3A_25] : memref<16384x32xf32, #tpu.memory_space<hbm>> -> memref<2048x32xf32, #tpu.memory_space<hbm>>
        tpu.wait_dma2 semaphore(%run_scoped3A : memref<!tpu.dma_semaphore, #tpu.memory_space<semaphore_mem>>) src(%dma_wait3A_26 : memref<2048x32xf32, #tpu.memory_space<hbm>>) dst(%arg8 : memref<2048x32xf32, #tpu.memory_space<vmem>>)
        tpu.yield
      }) : () -> ()
      %dma_start3A = arith.constant 0 : i32
      %dma_start3A_15 = arith.constant 0 : i32
      %dma_start3A_16 = tpu.memref_slice %arg4[%dma_start3A, %dma_start3A_15] : memref<16384x32xf32, #tpu.memory_space<hbm>> -> memref<16384x32xf32, #tpu.memory_space<hbm>>
      tpu.enqueue_indirect_dma source(%arg8 : memref<2048x32xf32, #tpu.memory_space<vmem>>) target(%dma_start3A_16 : memref<16384x32xf32, #tpu.memory_space<hbm>>) offsets(%arg7 : memref<2048xi32, #tpu.memory_space<vmem>>) semaphore(%arg10 : memref<!tpu.dma_semaphore, #tpu.memory_space<semaphore_mem>>)
      %dma_wait3A = arith.constant 0 : i32
      %dma_wait3A_17 = arith.constant 0 : i32
      %dma_wait3A_18 = tpu.memref_slice %arg4[%dma_wait3A, %dma_wait3A_17] : memref<16384x32xf32, #tpu.memory_space<hbm>> -> memref<16384x32xf32, #tpu.memory_space<hbm>>
      tpu.wait_indirect_dma semaphore(%arg10 : memref<!tpu.dma_semaphore, #tpu.memory_space<semaphore_mem>>) src(%arg8 : memref<2048x32xf32, #tpu.memory_space<vmem>>) dst(%dma_wait3A_18 : memref<16384x32xf32, #tpu.memory_space<hbm>>)
    } else {
    }
    return
  }
}

module attributes {stable_mosaic.version = 14 : i64} {
  func.func @_oc_kernel(%arg0: i32, %arg1: memref<8xi32, #tpu.memory_space<smem>>, %arg2: memref<1x1x2048xf32, #tpu.memory_space<vmem>>, %arg3: memref<1x2048x32xf32, #tpu.memory_space<vmem>>, %arg4: memref<1x1x2048xi32, #tpu.memory_space<vmem>>, %arg5: memref<1x1x2048xi32, #tpu.memory_space<vmem>>, %arg6: memref<1x2048x1xi32, #tpu.memory_space<vmem>>, %arg7: memref<1x2048x32xf32, #tpu.memory_space<vmem>>, %arg8: memref<1x1x128xf32, #tpu.memory_space<vmem>>, %arg9: memref<1xf32, #tpu.memory_space<smem>>) attributes {dimension_semantics = [#tpu.dimension_semantics<arbitrary>], iteration_bounds = array<i64: 8>, scalar_prefetch = 1 : i64, scratch_operands = 1 : i64, tpu.core_type = #tpu.core_type<tc>, window_params = [{transform_indices = @transform_0, window_bounds = array<i64: 1, 1, 2048>}, {transform_indices = @transform_1, window_bounds = array<i64: 1, 2048, 32>}, {transform_indices = @transform_2, window_bounds = array<i64: 1, 1, 2048>}, {transform_indices = @transform_3, window_bounds = array<i64: 1, 1, 2048>}, {transform_indices = @transform_4, window_bounds = array<i64: 1, 2048, 1>}, {transform_indices = @transform_5, window_bounds = array<i64: 1, 2048, 32>}, {pipeline_mode = #tpu.pipeline_mode<synchronous>, transform_indices = @transform_6, window_bounds = array<i64: 1, 1, 128>}]} {
    %get3A = arith.constant 0 : index
    %get3A_0 = arith.constant 0 : index
    %get3A_1 = arith.constant 0 : index
    %get3A_2 = vector.load %arg2[%get3A, %get3A_0, %get3A_1] : memref<1x1x2048xf32, #tpu.memory_space<vmem>>, vector<1x1x2048xf32>
    %get3A_3 = vector.shape_cast %get3A_2 : vector<1x1x2048xf32> to vector<1x2048xf32>
    %get3A_4 = arith.constant 0 : index
    %get3A_5 = arith.constant 0 : index
    %get3A_6 = arith.constant 0 : index
    %get3A_7 = vector.load %arg3[%get3A_4, %get3A_5, %get3A_6] : memref<1x2048x32xf32, #tpu.memory_space<vmem>>, vector<1x2048x32xf32>
    %get3A_8 = vector.shape_cast %get3A_7 : vector<1x2048x32xf32> to vector<2048x32xf32>
    %get3A_9 = arith.constant 0 : index
    %get3A_10 = arith.constant 0 : index
    %get3A_11 = arith.constant 0 : index
    %get3A_12 = vector.load %arg4[%get3A_9, %get3A_10, %get3A_11] : memref<1x1x2048xi32, #tpu.memory_space<vmem>>, vector<1x1x2048xi32>
    %get3A_13 = vector.shape_cast %get3A_12 : vector<1x1x2048xi32> to vector<1x2048xi32>
    %get3A_14 = arith.constant 0 : index
    %get3A_15 = arith.constant 0 : index
    %get3A_16 = arith.constant 0 : index
    %get3A_17 = vector.load %arg5[%get3A_14, %get3A_15, %get3A_16] : memref<1x1x2048xi32, #tpu.memory_space<vmem>>, vector<1x1x2048xi32>
    %get3A_18 = vector.shape_cast %get3A_17 : vector<1x1x2048xi32> to vector<1x2048xi32>
    %get3A_19 = arith.constant 0 : index
    %get3A_20 = arith.constant 0 : index
    %get3A_21 = arith.constant 0 : index
    %get3A_22 = vector.load %arg7[%get3A_19, %get3A_20, %get3A_21] : memref<1x2048x32xf32, #tpu.memory_space<vmem>>, vector<1x2048x32xf32>
    %get3A_23 = vector.shape_cast %get3A_22 : vector<1x2048x32xf32> to vector<2048x32xf32>
    %get3A_24 = arith.index_cast %arg0 : i32 to index
    %get3A_25 = memref.load %arg1[%get3A_24] : memref<8xi32, #tpu.memory_space<smem>>
    %eq3A = arith.constant 1 : i32
    %eq3A_26 = vector.broadcast %eq3A : i32 to vector<1x2048xi32>
    %eq3A_27 = arith.cmpi eq, %get3A_18, %eq3A_26 : vector<1x2048xi32>
    %convert_element_type3A = arith.extui %eq3A_27 : vector<1x2048xi1> to vector<1x2048xi32>
    %convert_element_type3A_28 = arith.sitofp %convert_element_type3A : vector<1x2048xi32> to vector<1x2048xf32>
    %sub3A = arith.constant 1.000000e+00 : f32
    %sub3A_29 = vector.broadcast %sub3A : f32 to vector<1x2048xf32>
    %sub3A_30 = arith.subf %sub3A_29, %convert_element_type3A_28 : vector<1x2048xf32>
    %reduce_sum3A = vector.shape_cast %convert_element_type3A_28 : vector<1x2048xf32> to vector<1x1x2048xf32>
    %reduce_sum3A_31 = arith.constant dense<0.000000e+00> : vector<1xf32>
    %reduce_sum3A_32 = vector.multi_reduction <add>, %reduce_sum3A, %reduce_sum3A_31 [1, 2] : vector<1x1x2048xf32> to vector<1xf32>
    %reduce_sum3A_33 = vector.shape_cast %reduce_sum3A_32 : vector<1xf32> to vector<1x1x1xf32>
    %reduce_sum3A_34 = vector.extract %reduce_sum3A_33[0, 0, 0] : f32 from vector<1x1x1xf32>
    %reduce_sum3A_35 = vector.shape_cast %sub3A_30 : vector<1x2048xf32> to vector<1x1x2048xf32>
    %reduce_sum3A_36 = arith.constant dense<0.000000e+00> : vector<1xf32>
    %reduce_sum3A_37 = vector.multi_reduction <add>, %reduce_sum3A_35, %reduce_sum3A_36 [1, 2] : vector<1x1x2048xf32> to vector<1xf32>
    %reduce_sum3A_38 = vector.shape_cast %reduce_sum3A_37 : vector<1xf32> to vector<1x1x1xf32>
    %reduce_sum3A_39 = vector.extract %reduce_sum3A_38[0, 0, 0] : f32 from vector<1x1x1xf32>
    %ge3A = arith.constant 1.000000e+00 : f32
    %ge3A_40 = arith.cmpf oge, %reduce_sum3A_34, %ge3A : f32
    %ge3A_41 = arith.constant 1.000000e+00 : f32
    %ge3A_42 = arith.cmpf oge, %reduce_sum3A_39, %ge3A_41 : f32
    %and3A = arith.andi %ge3A_40, %ge3A_42 : i1
    %jit3A = arith.constant 1.000000e+00 : f32
    %jit3A_43 = arith.constant 0.000000e+00 : f32
    %select_n3A = arith.select %and3A, %jit3A, %jit3A_43 : f32
    %add3A = arith.constant 9.99999997E-7 : f32
    %add3A_44 = arith.addf %reduce_sum3A_34, %add3A : f32
    %div3A = arith.divf %reduce_sum3A_39, %add3A_44 : f32
    %neg3A = arith.constant 0.000000e+00 : f32
    %neg3A_45 = vector.broadcast %neg3A : f32 to vector<1x2048xf32>
    %neg3A_46 = arith.subf %neg3A_45, %get3A_3 : vector<1x2048xf32>
    %custom_jvp_call3A = arith.constant 0.000000e+00 : f32
    %max3A = vector.broadcast %custom_jvp_call3A : f32 to vector<1x2048xf32>
    %max3A_47 = arith.maximumf %neg3A_46, %max3A : vector<1x2048xf32>
    %sub3A_48 = vector.broadcast %custom_jvp_call3A : f32 to vector<1x2048xf32>
    %sub3A_49 = arith.subf %neg3A_46, %sub3A_48 : vector<1x2048xf32>
    %ne3A = arith.cmpf one, %sub3A_49, %sub3A_49 : vector<1x2048xf32>
    %add3A_50 = vector.broadcast %custom_jvp_call3A : f32 to vector<1x2048xf32>
    %add3A_51 = arith.addf %neg3A_46, %add3A_50 : vector<1x2048xf32>
    %abs3A = math.absf %sub3A_49 : vector<1x2048xf32>
    %neg3A_52 = arith.constant 0.000000e+00 : f32
    %neg3A_53 = vector.broadcast %neg3A_52 : f32 to vector<1x2048xf32>
    %neg3A_54 = arith.subf %neg3A_53, %abs3A : vector<1x2048xf32>
    %exp3A = math.exp %neg3A_54 : vector<1x2048xf32>
    %log1p3A = math.log1p %exp3A : vector<1x2048xf32>
    %add3A_55 = arith.addf %max3A_47, %log1p3A : vector<1x2048xf32>
    %select_n3A_56 = arith.select %ne3A, %add3A_51, %add3A_55 : vector<1x2048xi1>, vector<1x2048xf32>
    %custom_jvp_call3A_57 = arith.constant 0.000000e+00 : f32
    %max3A_58 = vector.broadcast %custom_jvp_call3A_57 : f32 to vector<1x2048xf32>
    %max3A_59 = arith.maximumf %get3A_3, %max3A_58 : vector<1x2048xf32>
    %sub3A_60 = vector.broadcast %custom_jvp_call3A_57 : f32 to vector<1x2048xf32>
    %sub3A_61 = arith.subf %get3A_3, %sub3A_60 : vector<1x2048xf32>
    %ne3A_62 = arith.cmpf one, %sub3A_61, %sub3A_61 : vector<1x2048xf32>
    %add3A_63 = vector.broadcast %custom_jvp_call3A_57 : f32 to vector<1x2048xf32>
    %add3A_64 = arith.addf %get3A_3, %add3A_63 : vector<1x2048xf32>
    %abs3A_65 = math.absf %sub3A_61 : vector<1x2048xf32>
    %neg3A_66 = arith.constant 0.000000e+00 : f32
    %neg3A_67 = vector.broadcast %neg3A_66 : f32 to vector<1x2048xf32>
    %neg3A_68 = arith.subf %neg3A_67, %abs3A_65 : vector<1x2048xf32>
    %exp3A_69 = math.exp %neg3A_68 : vector<1x2048xf32>
    %log1p3A_70 = math.log1p %exp3A_69 : vector<1x2048xf32>
    %add3A_71 = arith.addf %max3A_59, %log1p3A_70 : vector<1x2048xf32>
    %select_n3A_72 = arith.select %ne3A_62, %add3A_64, %add3A_71 : vector<1x2048xi1>, vector<1x2048xf32>
    %mul3A = vector.broadcast %div3A : f32 to vector<1x2048xf32>
    %mul3A_73 = arith.mulf %mul3A, %convert_element_type3A_28 : vector<1x2048xf32>
    %mul3A_74 = arith.mulf %mul3A_73, %select_n3A_56 : vector<1x2048xf32>
    %mul3A_75 = arith.mulf %sub3A_30, %select_n3A_72 : vector<1x2048xf32>
    %add3A_76 = arith.addf %mul3A_74, %mul3A_75 : vector<1x2048xf32>
    %reduce_sum3A_77 = vector.shape_cast %add3A_76 : vector<1x2048xf32> to vector<1x1x2048xf32>
    %reduce_sum3A_78 = arith.constant dense<0.000000e+00> : vector<1xf32>
    %reduce_sum3A_79 = vector.multi_reduction <add>, %reduce_sum3A_77, %reduce_sum3A_78 [1, 2] : vector<1x1x2048xf32> to vector<1xf32>
    %reduce_sum3A_80 = vector.shape_cast %reduce_sum3A_79 : vector<1xf32> to vector<1x1x1xf32>
    %reduce_sum3A_81 = vector.extract %reduce_sum3A_80[0, 0, 0] : f32 from vector<1x1x1xf32>
    %div3A_82 = arith.constant 2.048000e+03 : f32
    %div3A_83 = arith.divf %reduce_sum3A_81, %div3A_82 : f32
    %logistic3A = arith.negf %get3A_3 : vector<1x2048xf32>
    %logistic3A_84 = math.exp %logistic3A : vector<1x2048xf32>
    %logistic3A_85 = arith.constant 1.000000e+00 : f32
    %logistic3A_86 = vector.broadcast %logistic3A_85 : f32 to vector<1x2048xf32>
    %logistic3A_87 = arith.addf %logistic3A_86, %logistic3A_84 : vector<1x2048xf32>
    %logistic3A_88 = arith.divf %logistic3A_86, %logistic3A_87 : vector<1x2048xf32>
    %sub3A_89 = arith.constant 0.699999988 : f32
    %sub3A_90 = vector.broadcast %sub3A_89 : f32 to vector<1x2048xf32>
    %sub3A_91 = arith.subf %sub3A_90, %logistic3A_88 : vector<1x2048xf32>
    %max3A_92 = arith.constant 0.000000e+00 : f32
    %max3A_93 = vector.broadcast %max3A_92 : f32 to vector<1x2048xf32>
    %max3A_94 = arith.maximumf %sub3A_91, %max3A_93 : vector<1x2048xf32>
    %mul3A_95 = arith.mulf %max3A_94, %convert_element_type3A_28 : vector<1x2048xf32>
    %reduce_sum3A_96 = vector.shape_cast %mul3A_95 : vector<1x2048xf32> to vector<1x1x2048xf32>
    %reduce_sum3A_97 = arith.constant dense<0.000000e+00> : vector<1xf32>
    %reduce_sum3A_98 = vector.multi_reduction <add>, %reduce_sum3A_96, %reduce_sum3A_97 [1, 2] : vector<1x1x2048xf32> to vector<1xf32>
    %reduce_sum3A_99 = vector.shape_cast %reduce_sum3A_98 : vector<1xf32> to vector<1x1x1xf32>
    %reduce_sum3A_100 = vector.extract %reduce_sum3A_99[0, 0, 0] : f32 from vector<1x1x1xf32>
    %max3A_101 = arith.constant 1.000000e+00 : f32
    %max3A_102 = arith.maximumf %reduce_sum3A_34, %max3A_101 : f32
    %div3A_103 = arith.divf %reduce_sum3A_100, %max3A_102 : f32
    %sub3A_104 = arith.constant 3.000000e-01 : f32
    %sub3A_105 = vector.broadcast %sub3A_104 : f32 to vector<1x2048xf32>
    %sub3A_106 = arith.subf %logistic3A_88, %sub3A_105 : vector<1x2048xf32>
    %max3A_107 = arith.constant 0.000000e+00 : f32
    %max3A_108 = vector.broadcast %max3A_107 : f32 to vector<1x2048xf32>
    %max3A_109 = arith.maximumf %sub3A_106, %max3A_108 : vector<1x2048xf32>
    %mul3A_110 = arith.mulf %max3A_109, %sub3A_30 : vector<1x2048xf32>
    %reduce_sum3A_111 = vector.shape_cast %mul3A_110 : vector<1x2048xf32> to vector<1x1x2048xf32>
    %reduce_sum3A_112 = arith.constant dense<0.000000e+00> : vector<1xf32>
    %reduce_sum3A_113 = vector.multi_reduction <add>, %reduce_sum3A_111, %reduce_sum3A_112 [1, 2] : vector<1x1x2048xf32> to vector<1xf32>
    %reduce_sum3A_114 = vector.shape_cast %reduce_sum3A_113 : vector<1xf32> to vector<1x1x1xf32>
    %reduce_sum3A_115 = vector.extract %reduce_sum3A_114[0, 0, 0] : f32 from vector<1x1x1xf32>
    %max3A_116 = arith.constant 1.000000e+00 : f32
    %max3A_117 = arith.maximumf %reduce_sum3A_39, %max3A_116 : f32
    %div3A_118 = arith.divf %reduce_sum3A_115, %max3A_117 : f32
    %add3A_119 = arith.addf %div3A_103, %div3A_118 : f32
    %mul3A_120 = arith.constant 5.000000e+00 : f32
    %mul3A_121 = arith.mulf %mul3A_120, %add3A_119 : f32
    %add3A_122 = arith.addf %div3A_83, %mul3A_121 : f32
    %mul3A_123 = arith.mulf %get3A_8, %get3A_8 : vector<2048x32xf32>
    %reduce_sum3A_124 = arith.constant dense<0.000000e+00> : vector<2048xf32>
    %reduce_sum3A_125 = vector.multi_reduction <add>, %mul3A_123, %reduce_sum3A_124 [1] : vector<2048x32xf32> to vector<2048xf32>
    %broadcast_in_dim3A = vector.shape_cast %reduce_sum3A_125 : vector<2048xf32> to vector<2048x1xf32>
    %iota3A = tpu.iota {dimensions = array<i32: 0>} : vector<64x2048xi32>
    %eq3A_126 = vector.broadcast %get3A_13 : vector<1x2048xi32> to vector<64x2048xi32>
    %eq3A_127 = arith.cmpi eq, %eq3A_126, %iota3A : vector<64x2048xi32>
    %convert_element_type3A_128 = arith.extui %eq3A_127 : vector<64x2048xi1> to vector<64x2048xi32>
    %convert_element_type3A_129 = arith.sitofp %convert_element_type3A_128 : vector<64x2048xi32> to vector<64x2048xf32>
    %broadcast_in_dim3A_130 = arith.constant 1.000000e+00 : f32
    %broadcast_in_dim3A_131 = vector.broadcast %broadcast_in_dim3A_130 : f32 to vector<2048x1xf32>
    %concatenate3A = tpu.concatenate %get3A_8, %broadcast_in_dim3A, %broadcast_in_dim3A_131 in 1 : vector<2048x32xf32>, vector<2048x1xf32>, vector<2048x1xf32> -> vector<2048x34xf32>
    %dot_general3A = arith.constant dense<0.000000e+00> : vector<64x34xf32>
    %dot_general3A_132 = tpu.matmul %convert_element_type3A_129, %concatenate3A, %dot_general3A {dimension_numbers = #tpu.dot_dimension_numbers<[1], [0], [0], [1], [0, 0, 1, 1], [], []>, transpose_lhs_hint = false} : vector<64x2048xf32>, vector<2048x34xf32>, vector<64x34xf32> -> vector<64x34xf32>
    %slice3A = vector.extract_strided_slice %dot_general3A_132 {offsets = [0, 0], sizes = [64, 32], strides = [1, 1]} : vector<64x34xf32> to vector<64x32xf32>
    %slice3A_133 = vector.extract_strided_slice %dot_general3A_132 {offsets = [0, 32], sizes = [64, 1], strides = [1, 1]} : vector<64x34xf32> to vector<64x1xf32>
    %squeeze3A = vector.shape_cast %slice3A_133 : vector<64x1xf32> to vector<64xf32>
    %slice3A_134 = vector.extract_strided_slice %dot_general3A_132 {offsets = [0, 33], sizes = [64, 1], strides = [1, 1]} : vector<64x34xf32> to vector<64x1xf32>
    %squeeze3A_135 = vector.shape_cast %slice3A_134 : vector<64x1xf32> to vector<64xf32>
    %iota3A_136 = tpu.iota {dimensions = array<i32: 1>} : vector<64x2048xi32>
    %gt3A = arith.constant 0.000000e+00 : f32
    %gt3A_137 = vector.broadcast %gt3A : f32 to vector<64x2048xf32>
    %gt3A_138 = arith.cmpf ogt, %convert_element_type3A_129, %gt3A_137 : vector<64x2048xf32>
    %gt3A_139 = arith.constant 0.000000e+00 : f32
    %gt3A_140 = vector.broadcast %gt3A_139 : f32 to vector<1x2048xf32>
    %gt3A_141 = arith.cmpf ogt, %convert_element_type3A_28, %gt3A_140 : vector<1x2048xf32>
    %and3A_142 = vector.broadcast %gt3A_141 : vector<1x2048xi1> to vector<64x2048xi1>
    %and3A_143 = arith.andi %gt3A_138, %and3A_142 : vector<64x2048xi1>
    %jit3A_144 = arith.constant 2048 : i32
    %broadcast_in_dim3A_145 = vector.broadcast %jit3A_144 : i32 to vector<64x2048xi32>
    %select_n3A_146 = arith.select %and3A_143, %iota3A_136, %broadcast_in_dim3A_145 : vector<64x2048xi1>, vector<64x2048xi32>
    %reduce_min3A = arith.constant dense<2147483647> : vector<64xi32>
    %reduce_min3A_147 = vector.multi_reduction <minsi>, %select_n3A_146, %reduce_min3A [1] : vector<64x2048xi32> to vector<64xi32>
    %lt3A = arith.constant 2048 : i32
    %lt3A_148 = vector.broadcast %lt3A : i32 to vector<64xi32>
    %lt3A_149 = arith.cmpi slt, %reduce_min3A_147, %lt3A_148 : vector<64xi32>
    %jit3A_150 = arith.constant 0 : i32
    %broadcast_in_dim3A_151 = vector.broadcast %jit3A_150 : i32 to vector<64xi32>
    %select_n3A_152 = arith.select %lt3A_149, %reduce_min3A_147, %broadcast_in_dim3A_151 : vector<64xi1>, vector<64xi32>
    %broadcast_in_dim3A_153 = vector.shape_cast %select_n3A_152 : vector<64xi32> to vector<64x1xi32>
    %eq3A_154 = vector.broadcast %broadcast_in_dim3A_153 : vector<64x1xi32> to vector<64x2048xi32>
    %eq3A_155 = arith.cmpi eq, %iota3A_136, %eq3A_154 : vector<64x2048xi32>
    %convert_element_type3A_156 = arith.extui %eq3A_155 : vector<64x2048xi1> to vector<64x2048xi32>
    %convert_element_type3A_157 = arith.sitofp %convert_element_type3A_156 : vector<64x2048xi32> to vector<64x2048xf32>
    %dot_general3A_158 = arith.constant dense<0.000000e+00> : vector<64x32xf32>
    %dot_general3A_159 = tpu.matmul %convert_element_type3A_157, %get3A_8, %dot_general3A_158 {dimension_numbers = #tpu.dot_dimension_numbers<[1], [0], [0], [1], [0, 0, 1, 1], [], []>, transpose_lhs_hint = false} : vector<64x2048xf32>, vector<2048x32xf32>, vector<64x32xf32> -> vector<64x32xf32>
    %mul3A_160 = arith.mulf %dot_general3A_159, %dot_general3A_159 : vector<64x32xf32>
    %reduce_sum3A_161 = arith.constant dense<0.000000e+00> : vector<64xf32>
    %reduce_sum3A_162 = vector.multi_reduction <add>, %mul3A_160, %reduce_sum3A_161 [1] : vector<64x32xf32> to vector<64xf32>
    %mul3A_163 = arith.mulf %dot_general3A_159, %slice3A : vector<64x32xf32>
    %reduce_sum3A_164 = arith.constant dense<0.000000e+00> : vector<64xf32>
    %reduce_sum3A_165 = vector.multi_reduction <add>, %mul3A_163, %reduce_sum3A_164 [1] : vector<64x32xf32> to vector<64xf32>
    %mul3A_166 = arith.constant 2.000000e+00 : f32
    %mul3A_167 = vector.broadcast %mul3A_166 : f32 to vector<64xf32>
    %mul3A_168 = arith.mulf %mul3A_167, %reduce_sum3A_165 : vector<64xf32>
    %sub3A_169 = arith.subf %squeeze3A, %mul3A_168 : vector<64xf32>
    %mul3A_170 = arith.mulf %squeeze3A_135, %reduce_sum3A_162 : vector<64xf32>
    %add3A_171 = arith.addf %sub3A_169, %mul3A_170 : vector<64xf32>
    %max3A_172 = arith.constant 1.000000e+00 : f32
    %max3A_173 = vector.broadcast %max3A_172 : f32 to vector<64xf32>
    %max3A_174 = arith.maximumf %squeeze3A_135, %max3A_173 : vector<64xf32>
    %div3A_175 = arith.divf %add3A_171, %max3A_174 : vector<64xf32>
    %jit3A_176 = arith.constant 0.000000e+00 : f32
    %broadcast_in_dim3A_177 = vector.broadcast %jit3A_176 : f32 to vector<64xf32>
    %select_n3A_178 = arith.select %lt3A_149, %div3A_175, %broadcast_in_dim3A_177 : vector<64xi1>, vector<64xf32>
    %reduce_sum3A_179 = vector.shape_cast %select_n3A_178 : vector<64xf32> to vector<1x64xf32>
    %reduce_sum3A_180 = arith.constant dense<0.000000e+00> : vector<1xf32>
    %reduce_sum3A_181 = vector.multi_reduction <add>, %reduce_sum3A_179, %reduce_sum3A_180 [1] : vector<1x64xf32> to vector<1xf32>
    %reduce_sum3A_182 = vector.shape_cast %reduce_sum3A_181 : vector<1xf32> to vector<1x1xf32>
    %reduce_sum3A_183 = vector.extract %reduce_sum3A_182[0, 0] : f32 from vector<1x1xf32>
    %mul3A_184 = arith.constant 1.000000e+00 : f32
    %mul3A_185 = arith.mulf %reduce_sum3A_183, %mul3A_184 : f32
    %iota3A_186 = tpu.iota {dimensions = array<i32: 0>} : vector<2048x1xi32>
    %lt3A_187 = vector.broadcast %get3A_25 : i32 to vector<2048x1xi32>
    %lt3A_188 = arith.cmpi slt, %iota3A_186, %lt3A_187 : vector<2048x1xi32>
    %jit3A_189 = arith.constant 0.000000e+00 : f32
    %broadcast_in_dim3A_190 = vector.shape_cast %lt3A_188 : vector<2048x1xi1> to vector<2048x1xi1>
    %broadcast_in_dim3A_191 = vector.broadcast %broadcast_in_dim3A_190 : vector<2048x1xi1> to vector<2048x32xi1>
    %broadcast_in_dim3A_192 = vector.broadcast %jit3A_189 : f32 to vector<2048x32xf32>
    %select_n3A_193 = arith.select %broadcast_in_dim3A_191, %get3A_23, %broadcast_in_dim3A_192 : vector<2048x32xi1>, vector<2048x32xf32>
    %mul3A_194 = arith.mulf %select_n3A_193, %select_n3A_193 : vector<2048x32xf32>
    %reduce_sum3A_195 = arith.constant dense<0.000000e+00> : vector<2048xf32>
    %reduce_sum3A_196 = vector.multi_reduction <add>, %mul3A_194, %reduce_sum3A_195 [1] : vector<2048x32xf32> to vector<2048xf32>
    %broadcast_in_dim3A_197 = vector.shape_cast %reduce_sum3A_196 : vector<2048xf32> to vector<2048x1xf32>
    %reduce_max3A = vector.shape_cast %broadcast_in_dim3A_197 : vector<2048x1xf32> to vector<1x2048x1xf32>
    %reduce_max3A_198 = arith.constant dense<0xFF800000> : vector<1xf32>
    %reduce_max3A_199 = vector.multi_reduction <maximumf>, %reduce_max3A, %reduce_max3A_198 [1, 2] : vector<1x2048x1xf32> to vector<1xf32>
    %reduce_max3A_200 = vector.shape_cast %reduce_max3A_199 : vector<1xf32> to vector<1x1x1xf32>
    %reduce_max3A_201 = vector.extract %reduce_max3A_200[0, 0, 0] : f32 from vector<1x1x1xf32>
    %mul3A_202 = arith.constant 5.000000e-01 : f32
    %mul3A_203 = arith.mulf %mul3A_202, %reduce_max3A_201 : f32
    %mul3A_204 = arith.constant 1.69864357 : f32
    %mul3A_205 = vector.broadcast %mul3A_204 : f32 to vector<2048x32xf32>
    %mul3A_206 = arith.mulf %select_n3A_193, %mul3A_205 : vector<2048x32xf32>
    %add3A_207 = vector.broadcast %mul3A_203 : f32 to vector<2048x1xf32>
    %add3A_208 = arith.addf %broadcast_in_dim3A_197, %add3A_207 : vector<2048x1xf32>
    %mul3A_209 = arith.constant 1.44269502 : f32
    %mul3A_210 = vector.broadcast %mul3A_209 : f32 to vector<2048x1xf32>
    %mul3A_211 = arith.mulf %mul3A_210, %add3A_208 : vector<2048x1xf32>
    %jit3A_212 = arith.constant 1.000000e+09 : f32
    %broadcast_in_dim3A_213 = vector.broadcast %jit3A_212 : f32 to vector<2048x1xf32>
    %select_n3A_214 = arith.select %lt3A_188, %mul3A_211, %broadcast_in_dim3A_213 : vector<2048x1xi1>, vector<2048x1xf32>
    %sub3A_215 = vector.broadcast %mul3A_203 : f32 to vector<2048x1xf32>
    %sub3A_216 = arith.subf %sub3A_215, %broadcast_in_dim3A_197 : vector<2048x1xf32>
    %mul3A_217 = arith.constant 1.44269502 : f32
    %mul3A_218 = vector.broadcast %mul3A_217 : f32 to vector<2048x1xf32>
    %mul3A_219 = arith.mulf %mul3A_218, %sub3A_216 : vector<2048x1xf32>
    %jit3A_220 = arith.constant -1.000000e+09 : f32
    %broadcast_in_dim3A_221 = vector.broadcast %jit3A_220 : f32 to vector<2048x1xf32>
    %select_n3A_222 = arith.select %lt3A_188, %mul3A_219, %broadcast_in_dim3A_221 : vector<2048x1xi1>, vector<2048x1xf32>
    %concatenate3A_223 = tpu.concatenate %mul3A_206, %select_n3A_222, %broadcast_in_dim3A_131 in 1 : vector<2048x32xf32>, vector<2048x1xf32>, vector<2048x1xf32> -> vector<2048x34xf32>
    %neg3A_224 = arith.constant 0.000000e+00 : f32
    %neg3A_225 = vector.broadcast %neg3A_224 : f32 to vector<2048x1xf32>
    %neg3A_226 = arith.subf %neg3A_225, %select_n3A_214 : vector<2048x1xf32>
    %concatenate3A_227 = tpu.concatenate %mul3A_206, %broadcast_in_dim3A_131, %neg3A_226 in 1 : vector<2048x32xf32>, vector<2048x1xf32>, vector<2048x1xf32> -> vector<2048x34xf32>
    %iota3A_228 = tpu.iota {dimensions = array<i32: 0>} : vector<256x256xi32>
    %iota3A_229 = tpu.iota {dimensions = array<i32: 1>} : vector<256x256xi32>
    %gt3A_230 = arith.cmpi sgt, %iota3A_229, %iota3A_228 : vector<256x256xi32>
    %convert_element_type3A_231 = arith.extui %gt3A_230 : vector<256x256xi1> to vector<256x256xi32>
    %convert_element_type3A_232 = arith.sitofp %convert_element_type3A_231 : vector<256x256xi32> to vector<256x256xf32>
    %swap3A = arith.constant 0.000000e+00 : f32
    %swap3A_233 = arith.constant 0 : index
    %swap3A_234 = memref.load %arg9[%swap3A_233] : memref<1xf32, #tpu.memory_space<smem>>
    memref.store %swap3A, %arg9[%swap3A_233] : memref<1xf32, #tpu.memory_space<smem>>
    %gt3A_235 = arith.constant 0 : i32
    %gt3A_236 = arith.cmpi sgt, %get3A_25, %gt3A_235 : i32
    %convert_element_type3A_237 = arith.extui %gt3A_236 : i1 to i32
    %cond3A = arith.constant 0 : i32
    %cond3A_238 = arith.cmpi ne, %convert_element_type3A_237, %cond3A : i32
    scf.if %cond3A_238 {
      %slice3A_485 = vector.extract_strided_slice %concatenate3A_223 {offsets = [0, 0], sizes = [256, 34], strides = [1, 1]} : vector<2048x34xf32> to vector<256x34xf32>
      %slice3A_486 = vector.extract_strided_slice %concatenate3A_227 {offsets = [0, 0], sizes = [256, 34], strides = [1, 1]} : vector<2048x34xf32> to vector<256x34xf32>
      %dot_general3A_487 = arith.constant dense<0.000000e+00> : vector<256x256xf32>
      %dot_general3A_488 = tpu.matmul %slice3A_485, %slice3A_486, %dot_general3A_487 {dimension_numbers = #tpu.dot_dimension_numbers<[1], [1], [0], [0], [0, 0, 1, 0], [], []>, transpose_lhs_hint = false} : vector<256x34xf32>, vector<256x34xf32>, vector<256x256xf32> -> vector<256x256xf32>
      %exp23A = math.exp2 %dot_general3A_488 : vector<256x256xf32>
      %mul3A_489 = arith.mulf %exp23A, %convert_element_type3A_232 : vector<256x256xf32>
      %get3A_490 = arith.constant 0 : index
      %get3A_491 = memref.load %arg9[%get3A_490] : memref<1xf32, #tpu.memory_space<smem>>
      %reduce_sum3A_492 = vector.shape_cast %mul3A_489 : vector<256x256xf32> to vector<1x256x256xf32>
      %reduce_sum3A_493 = arith.constant dense<0.000000e+00> : vector<1xf32>
      %reduce_sum3A_494 = vector.multi_reduction <add>, %reduce_sum3A_492, %reduce_sum3A_493 [1, 2] : vector<1x256x256xf32> to vector<1xf32>
      %reduce_sum3A_495 = vector.shape_cast %reduce_sum3A_494 : vector<1xf32> to vector<1x1x1xf32>
      %reduce_sum3A_496 = vector.extract %reduce_sum3A_495[0, 0, 0] : f32 from vector<1x1x1xf32>
      %add3A_497 = arith.addf %get3A_491, %reduce_sum3A_496 : f32
      %swap3A_498 = arith.constant 0 : index
      %swap3A_499 = memref.load %arg9[%swap3A_498] : memref<1xf32, #tpu.memory_space<smem>>
      memref.store %add3A_497, %arg9[%swap3A_498] : memref<1xf32, #tpu.memory_space<smem>>
    } else {
    }
    %gt3A_239 = arith.constant 256 : i32
    %gt3A_240 = arith.cmpi sgt, %get3A_25, %gt3A_239 : i32
    %convert_element_type3A_241 = arith.extui %gt3A_240 : i1 to i32
    %cond3A_242 = arith.constant 0 : i32
    %cond3A_243 = arith.cmpi ne, %convert_element_type3A_241, %cond3A_242 : i32
    scf.if %cond3A_243 {
      %slice3A_485 = vector.extract_strided_slice %concatenate3A_223 {offsets = [0, 0], sizes = [256, 34], strides = [1, 1]} : vector<2048x34xf32> to vector<256x34xf32>
      %slice3A_486 = vector.extract_strided_slice %concatenate3A_227 {offsets = [256, 0], sizes = [256, 34], strides = [1, 1]} : vector<2048x34xf32> to vector<256x34xf32>
      %dot_general3A_487 = arith.constant dense<0.000000e+00> : vector<256x256xf32>
      %dot_general3A_488 = tpu.matmul %slice3A_485, %slice3A_486, %dot_general3A_487 {dimension_numbers = #tpu.dot_dimension_numbers<[1], [1], [0], [0], [0, 0, 1, 0], [], []>, transpose_lhs_hint = false} : vector<256x34xf32>, vector<256x34xf32>, vector<256x256xf32> -> vector<256x256xf32>
      %exp23A = math.exp2 %dot_general3A_488 : vector<256x256xf32>
      %get3A_489 = arith.constant 0 : index
      %get3A_490 = memref.load %arg9[%get3A_489] : memref<1xf32, #tpu.memory_space<smem>>
      %reduce_sum3A_491 = vector.shape_cast %exp23A : vector<256x256xf32> to vector<1x256x256xf32>
      %reduce_sum3A_492 = arith.constant dense<0.000000e+00> : vector<1xf32>
      %reduce_sum3A_493 = vector.multi_reduction <add>, %reduce_sum3A_491, %reduce_sum3A_492 [1, 2] : vector<1x256x256xf32> to vector<1xf32>
      %reduce_sum3A_494 = vector.shape_cast %reduce_sum3A_493 : vector<1xf32> to vector<1x1x1xf32>
      %reduce_sum3A_495 = vector.extract %reduce_sum3A_494[0, 0, 0] : f32 from vector<1x1x1xf32>
      %add3A_496 = arith.addf %get3A_490, %reduce_sum3A_495 : f32
      %swap3A_497 = arith.constant 0 : index
      %swap3A_498 = memref.load %arg9[%swap3A_497] : memref<1xf32, #tpu.memory_space<smem>>
      memref.store %add3A_496, %arg9[%swap3A_497] : memref<1xf32, #tpu.memory_space<smem>>
    } else {
    }
    %gt3A_244 = arith.constant 512 : i32
    %gt3A_245 = arith.cmpi sgt, %get3A_25, %gt3A_244 : i32
    %convert_element_type3A_246 = arith.extui %gt3A_245 : i1 to i32
    %cond3A_247 = arith.constant 0 : i32
    %cond3A_248 = arith.cmpi ne, %convert_element_type3A_246, %cond3A_247 : i32
    scf.if %cond3A_248 {
      %slice3A_485 = vector.extract_strided_slice %concatenate3A_223 {offsets = [0, 0], sizes = [256, 34], strides = [1, 1]} : vector<2048x34xf32> to vector<256x34xf32>
      %slice3A_486 = vector.extract_strided_slice %concatenate3A_227 {offsets = [512, 0], sizes = [256, 34], strides = [1, 1]} : vector<2048x34xf32> to vector<256x34xf32>
      %dot_general3A_487 = arith.constant dense<0.000000e+00> : vector<256x256xf32>
      %dot_general3A_488 = tpu.matmul %slice3A_485, %slice3A_486, %dot_general3A_487 {dimension_numbers = #tpu.dot_dimension_numbers<[1], [1], [0], [0], [0, 0, 1, 0], [], []>, transpose_lhs_hint = false} : vector<256x34xf32>, vector<256x34xf32>, vector<256x256xf32> -> vector<256x256xf32>
      %exp23A = math.exp2 %dot_general3A_488 : vector<256x256xf32>
      %get3A_489 = arith.constant 0 : index
      %get3A_490 = memref.load %arg9[%get3A_489] : memref<1xf32, #tpu.memory_space<smem>>
      %reduce_sum3A_491 = vector.shape_cast %exp23A : vector<256x256xf32> to vector<1x256x256xf32>
      %reduce_sum3A_492 = arith.constant dense<0.000000e+00> : vector<1xf32>
      %reduce_sum3A_493 = vector.multi_reduction <add>, %reduce_sum3A_491, %reduce_sum3A_492 [1, 2] : vector<1x256x256xf32> to vector<1xf32>
      %reduce_sum3A_494 = vector.shape_cast %reduce_sum3A_493 : vector<1xf32> to vector<1x1x1xf32>
      %reduce_sum3A_495 = vector.extract %reduce_sum3A_494[0, 0, 0] : f32 from vector<1x1x1xf32>
      %add3A_496 = arith.addf %get3A_490, %reduce_sum3A_495 : f32
      %swap3A_497 = arith.constant 0 : index
      %swap3A_498 = memref.load %arg9[%swap3A_497] : memref<1xf32, #tpu.memory_space<smem>>
      memref.store %add3A_496, %arg9[%swap3A_497] : memref<1xf32, #tpu.memory_space<smem>>
    } else {
    }
    %gt3A_249 = arith.constant 768 : i32
    %gt3A_250 = arith.cmpi sgt, %get3A_25, %gt3A_249 : i32
    %convert_element_type3A_251 = arith.extui %gt3A_250 : i1 to i32
    %cond3A_252 = arith.constant 0 : i32
    %cond3A_253 = arith.cmpi ne, %convert_element_type3A_251, %cond3A_252 : i32
    scf.if %cond3A_253 {
      %slice3A_485 = vector.extract_strided_slice %concatenate3A_223 {offsets = [0, 0], sizes = [256, 34], strides = [1, 1]} : vector<2048x34xf32> to vector<256x34xf32>
      %slice3A_486 = vector.extract_strided_slice %concatenate3A_227 {offsets = [768, 0], sizes = [256, 34], strides = [1, 1]} : vector<2048x34xf32> to vector<256x34xf32>
      %dot_general3A_487 = arith.constant dense<0.000000e+00> : vector<256x256xf32>
      %dot_general3A_488 = tpu.matmul %slice3A_485, %slice3A_486, %dot_general3A_487 {dimension_numbers = #tpu.dot_dimension_numbers<[1], [1], [0], [0], [0, 0, 1, 0], [], []>, transpose_lhs_hint = false} : vector<256x34xf32>, vector<256x34xf32>, vector<256x256xf32> -> vector<256x256xf32>
      %exp23A = math.exp2 %dot_general3A_488 : vector<256x256xf32>
      %get3A_489 = arith.constant 0 : index
      %get3A_490 = memref.load %arg9[%get3A_489] : memref<1xf32, #tpu.memory_space<smem>>
      %reduce_sum3A_491 = vector.shape_cast %exp23A : vector<256x256xf32> to vector<1x256x256xf32>
      %reduce_sum3A_492 = arith.constant dense<0.000000e+00> : vector<1xf32>
      %reduce_sum3A_493 = vector.multi_reduction <add>, %reduce_sum3A_491, %reduce_sum3A_492 [1, 2] : vector<1x256x256xf32> to vector<1xf32>
      %reduce_sum3A_494 = vector.shape_cast %reduce_sum3A_493 : vector<1xf32> to vector<1x1x1xf32>
      %reduce_sum3A_495 = vector.extract %reduce_sum3A_494[0, 0, 0] : f32 from vector<1x1x1xf32>
      %add3A_496 = arith.addf %get3A_490, %reduce_sum3A_495 : f32
      %swap3A_497 = arith.constant 0 : index
      %swap3A_498 = memref.load %arg9[%swap3A_497] : memref<1xf32, #tpu.memory_space<smem>>
      memref.store %add3A_496, %arg9[%swap3A_497] : memref<1xf32, #tpu.memory_space<smem>>
    } else {
    }
    %gt3A_254 = arith.constant 1024 : i32
    %gt3A_255 = arith.cmpi sgt, %get3A_25, %gt3A_254 : i32
    %convert_element_type3A_256 = arith.extui %gt3A_255 : i1 to i32
    %cond3A_257 = arith.constant 0 : i32
    %cond3A_258 = arith.cmpi ne, %convert_element_type3A_256, %cond3A_257 : i32
    scf.if %cond3A_258 {
      %slice3A_485 = vector.extract_strided_slice %concatenate3A_223 {offsets = [0, 0], sizes = [256, 34], strides = [1, 1]} : vector<2048x34xf32> to vector<256x34xf32>
      %slice3A_486 = vector.extract_strided_slice %concatenate3A_227 {offsets = [1024, 0], sizes = [256, 34], strides = [1, 1]} : vector<2048x34xf32> to vector<256x34xf32>
      %dot_general3A_487 = arith.constant dense<0.000000e+00> : vector<256x256xf32>
      %dot_general3A_488 = tpu.matmul %slice3A_485, %slice3A_486, %dot_general3A_487 {dimension_numbers = #tpu.dot_dimension_numbers<[1], [1], [0], [0], [0, 0, 1, 0], [], []>, transpose_lhs_hint = false} : vector<256x34xf32>, vector<256x34xf32>, vector<256x256xf32> -> vector<256x256xf32>
      %exp23A = math.exp2 %dot_general3A_488 : vector<256x256xf32>
      %get3A_489 = arith.constant 0 : index
      %get3A_490 = memref.load %arg9[%get3A_489] : memref<1xf32, #tpu.memory_space<smem>>
      %reduce_sum3A_491 = vector.shape_cast %exp23A : vector<256x256xf32> to vector<1x256x256xf32>
      %reduce_sum3A_492 = arith.constant dense<0.000000e+00> : vector<1xf32>
      %reduce_sum3A_493 = vector.multi_reduction <add>, %reduce_sum3A_491, %reduce_sum3A_492 [1, 2] : vector<1x256x256xf32> to vector<1xf32>
      %reduce_sum3A_494 = vector.shape_cast %reduce_sum3A_493 : vector<1xf32> to vector<1x1x1xf32>
      %reduce_sum3A_495 = vector.extract %reduce_sum3A_494[0, 0, 0] : f32 from vector<1x1x1xf32>
      %add3A_496 = arith.addf %get3A_490, %reduce_sum3A_495 : f32
      %swap3A_497 = arith.constant 0 : index
      %swap3A_498 = memref.load %arg9[%swap3A_497] : memref<1xf32, #tpu.memory_space<smem>>
      memref.store %add3A_496, %arg9[%swap3A_497] : memref<1xf32, #tpu.memory_space<smem>>
    } else {
    }
    %gt3A_259 = arith.constant 1280 : i32
    %gt3A_260 = arith.cmpi sgt, %get3A_25, %gt3A_259 : i32
    %convert_element_type3A_261 = arith.extui %gt3A_260 : i1 to i32
    %cond3A_262 = arith.constant 0 : i32
    %cond3A_263 = arith.cmpi ne, %convert_element_type3A_261, %cond3A_262 : i32
    scf.if %cond3A_263 {
      %slice3A_485 = vector.extract_strided_slice %concatenate3A_223 {offsets = [0, 0], sizes = [256, 34], strides = [1, 1]} : vector<2048x34xf32> to vector<256x34xf32>
      %slice3A_486 = vector.extract_strided_slice %concatenate3A_227 {offsets = [1280, 0], sizes = [256, 34], strides = [1, 1]} : vector<2048x34xf32> to vector<256x34xf32>
      %dot_general3A_487 = arith.constant dense<0.000000e+00> : vector<256x256xf32>
      %dot_general3A_488 = tpu.matmul %slice3A_485, %slice3A_486, %dot_general3A_487 {dimension_numbers = #tpu.dot_dimension_numbers<[1], [1], [0], [0], [0, 0, 1, 0], [], []>, transpose_lhs_hint = false} : vector<256x34xf32>, vector<256x34xf32>, vector<256x256xf32> -> vector<256x256xf32>
      %exp23A = math.exp2 %dot_general3A_488 : vector<256x256xf32>
      %get3A_489 = arith.constant 0 : index
      %get3A_490 = memref.load %arg9[%get3A_489] : memref<1xf32, #tpu.memory_space<smem>>
      %reduce_sum3A_491 = vector.shape_cast %exp23A : vector<256x256xf32> to vector<1x256x256xf32>
      %reduce_sum3A_492 = arith.constant dense<0.000000e+00> : vector<1xf32>
      %reduce_sum3A_493 = vector.multi_reduction <add>, %reduce_sum3A_491, %reduce_sum3A_492 [1, 2] : vector<1x256x256xf32> to vector<1xf32>
      %reduce_sum3A_494 = vector.shape_cast %reduce_sum3A_493 : vector<1xf32> to vector<1x1x1xf32>
      %reduce_sum3A_495 = vector.extract %reduce_sum3A_494[0, 0, 0] : f32 from vector<1x1x1xf32>
      %add3A_496 = arith.addf %get3A_490, %reduce_sum3A_495 : f32
      %swap3A_497 = arith.constant 0 : index
      %swap3A_498 = memref.load %arg9[%swap3A_497] : memref<1xf32, #tpu.memory_space<smem>>
      memref.store %add3A_496, %arg9[%swap3A_497] : memref<1xf32, #tpu.memory_space<smem>>
    } else {
    }
    %gt3A_264 = arith.constant 1536 : i32
    %gt3A_265 = arith.cmpi sgt, %get3A_25, %gt3A_264 : i32
    %convert_element_type3A_266 = arith.extui %gt3A_265 : i1 to i32
    %cond3A_267 = arith.constant 0 : i32
    %cond3A_268 = arith.cmpi ne, %convert_element_type3A_266, %cond3A_267 : i32
    scf.if %cond3A_268 {
      %slice3A_485 = vector.extract_strided_slice %concatenate3A_223 {offsets = [0, 0], sizes = [256, 34], strides = [1, 1]} : vector<2048x34xf32> to vector<256x34xf32>
      %slice3A_486 = vector.extract_strided_slice %concatenate3A_227 {offsets = [1536, 0], sizes = [256, 34], strides = [1, 1]} : vector<2048x34xf32> to vector<256x34xf32>
      %dot_general3A_487 = arith.constant dense<0.000000e+00> : vector<256x256xf32>
      %dot_general3A_488 = tpu.matmul %slice3A_485, %slice3A_486, %dot_general3A_487 {dimension_numbers = #tpu.dot_dimension_numbers<[1], [1], [0], [0], [0, 0, 1, 0], [], []>, transpose_lhs_hint = false} : vector<256x34xf32>, vector<256x34xf32>, vector<256x256xf32> -> vector<256x256xf32>
      %exp23A = math.exp2 %dot_general3A_488 : vector<256x256xf32>
      %get3A_489 = arith.constant 0 : index
      %get3A_490 = memref.load %arg9[%get3A_489] : memref<1xf32, #tpu.memory_space<smem>>
      %reduce_sum3A_491 = vector.shape_cast %exp23A : vector<256x256xf32> to vector<1x256x256xf32>
      %reduce_sum3A_492 = arith.constant dense<0.000000e+00> : vector<1xf32>
      %reduce_sum3A_493 = vector.multi_reduction <add>, %reduce_sum3A_491, %reduce_sum3A_492 [1, 2] : vector<1x256x256xf32> to vector<1xf32>
      %reduce_sum3A_494 = vector.shape_cast %reduce_sum3A_493 : vector<1xf32> to vector<1x1x1xf32>
      %reduce_sum3A_495 = vector.extract %reduce_sum3A_494[0, 0, 0] : f32 from vector<1x1x1xf32>
      %add3A_496 = arith.addf %get3A_490, %reduce_sum3A_495 : f32
      %swap3A_497 = arith.constant 0 : index
      %swap3A_498 = memref.load %arg9[%swap3A_497] : memref<1xf32, #tpu.memory_space<smem>>
      memref.store %add3A_496, %arg9[%swap3A_497] : memref<1xf32, #tpu.memory_space<smem>>
    } else {
    }
    %gt3A_269 = arith.constant 1792 : i32
    %gt3A_270 = arith.cmpi sgt, %get3A_25, %gt3A_269 : i32
    %convert_element_type3A_271 = arith.extui %gt3A_270 : i1 to i32
    %cond3A_272 = arith.constant 0 : i32
    %cond3A_273 = arith.cmpi ne, %convert_element_type3A_271, %cond3A_272 : i32
    scf.if %cond3A_273 {
      %slice3A_485 = vector.extract_strided_slice %concatenate3A_223 {offsets = [0, 0], sizes = [256, 34], strides = [1, 1]} : vector<2048x34xf32> to vector<256x34xf32>
      %slice3A_486 = vector.extract_strided_slice %concatenate3A_227 {offsets = [1792, 0], sizes = [256, 34], strides = [1, 1]} : vector<2048x34xf32> to vector<256x34xf32>
      %dot_general3A_487 = arith.constant dense<0.000000e+00> : vector<256x256xf32>
      %dot_general3A_488 = tpu.matmul %slice3A_485, %slice3A_486, %dot_general3A_487 {dimension_numbers = #tpu.dot_dimension_numbers<[1], [1], [0], [0], [0, 0, 1, 0], [], []>, transpose_lhs_hint = false} : vector<256x34xf32>, vector<256x34xf32>, vector<256x256xf32> -> vector<256x256xf32>
      %exp23A = math.exp2 %dot_general3A_488 : vector<256x256xf32>
      %get3A_489 = arith.constant 0 : index
      %get3A_490 = memref.load %arg9[%get3A_489] : memref<1xf32, #tpu.memory_space<smem>>
      %reduce_sum3A_491 = vector.shape_cast %exp23A : vector<256x256xf32> to vector<1x256x256xf32>
      %reduce_sum3A_492 = arith.constant dense<0.000000e+00> : vector<1xf32>
      %reduce_sum3A_493 = vector.multi_reduction <add>, %reduce_sum3A_491, %reduce_sum3A_492 [1, 2] : vector<1x256x256xf32> to vector<1xf32>
      %reduce_sum3A_494 = vector.shape_cast %reduce_sum3A_493 : vector<1xf32> to vector<1x1x1xf32>
      %reduce_sum3A_495 = vector.extract %reduce_sum3A_494[0, 0, 0] : f32 from vector<1x1x1xf32>
      %add3A_496 = arith.addf %get3A_490, %reduce_sum3A_495 : f32
      %swap3A_497 = arith.constant 0 : index
      %swap3A_498 = memref.load %arg9[%swap3A_497] : memref<1xf32, #tpu.memory_space<smem>>
      memref.store %add3A_496, %arg9[%swap3A_497] : memref<1xf32, #tpu.memory_space<smem>>
    } else {
    }
    %gt3A_274 = arith.constant 256 : i32
    %gt3A_275 = arith.cmpi sgt, %get3A_25, %gt3A_274 : i32
    %convert_element_type3A_276 = arith.extui %gt3A_275 : i1 to i32
    %cond3A_277 = arith.constant 0 : i32
    %cond3A_278 = arith.cmpi ne, %convert_element_type3A_276, %cond3A_277 : i32
    scf.if %cond3A_278 {
      %slice3A_485 = vector.extract_strided_slice %concatenate3A_223 {offsets = [256, 0], sizes = [256, 34], strides = [1, 1]} : vector<2048x34xf32> to vector<256x34xf32>
      %slice3A_486 = vector.extract_strided_slice %concatenate3A_227 {offsets = [256, 0], sizes = [256, 34], strides = [1, 1]} : vector<2048x34xf32> to vector<256x34xf32>
      %dot_general3A_487 = arith.constant dense<0.000000e+00> : vector<256x256xf32>
      %dot_general3A_488 = tpu.matmul %slice3A_485, %slice3A_486, %dot_general3A_487 {dimension_numbers = #tpu.dot_dimension_numbers<[1], [1], [0], [0], [0, 0, 1, 0], [], []>, transpose_lhs_hint = false} : vector<256x34xf32>, vector<256x34xf32>, vector<256x256xf32> -> vector<256x256xf32>
      %exp23A = math.exp2 %dot_general3A_488 : vector<256x256xf32>
      %mul3A_489 = arith.mulf %exp23A, %convert_element_type3A_232 : vector<256x256xf32>
      %get3A_490 = arith.constant 0 : index
      %get3A_491 = memref.load %arg9[%get3A_490] : memref<1xf32, #tpu.memory_space<smem>>
      %reduce_sum3A_492 = vector.shape_cast %mul3A_489 : vector<256x256xf32> to vector<1x256x256xf32>
      %reduce_sum3A_493 = arith.constant dense<0.000000e+00> : vector<1xf32>
      %reduce_sum3A_494 = vector.multi_reduction <add>, %reduce_sum3A_492, %reduce_sum3A_493 [1, 2] : vector<1x256x256xf32> to vector<1xf32>
      %reduce_sum3A_495 = vector.shape_cast %reduce_sum3A_494 : vector<1xf32> to vector<1x1x1xf32>
      %reduce_sum3A_496 = vector.extract %reduce_sum3A_495[0, 0, 0] : f32 from vector<1x1x1xf32>
      %add3A_497 = arith.addf %get3A_491, %reduce_sum3A_496 : f32
      %swap3A_498 = arith.constant 0 : index
      %swap3A_499 = memref.load %arg9[%swap3A_498] : memref<1xf32, #tpu.memory_space<smem>>
      memref.store %add3A_497, %arg9[%swap3A_498] : memref<1xf32, #tpu.memory_space<smem>>
    } else {
    }
    %gt3A_279 = arith.constant 512 : i32
    %gt3A_280 = arith.cmpi sgt, %get3A_25, %gt3A_279 : i32
    %convert_element_type3A_281 = arith.extui %gt3A_280 : i1 to i32
    %cond3A_282 = arith.constant 0 : i32
    %cond3A_283 = arith.cmpi ne, %convert_element_type3A_281, %cond3A_282 : i32
    scf.if %cond3A_283 {
      %slice3A_485 = vector.extract_strided_slice %concatenate3A_223 {offsets = [256, 0], sizes = [256, 34], strides = [1, 1]} : vector<2048x34xf32> to vector<256x34xf32>
      %slice3A_486 = vector.extract_strided_slice %concatenate3A_227 {offsets = [512, 0], sizes = [256, 34], strides = [1, 1]} : vector<2048x34xf32> to vector<256x34xf32>
      %dot_general3A_487 = arith.constant dense<0.000000e+00> : vector<256x256xf32>
      %dot_general3A_488 = tpu.matmul %slice3A_485, %slice3A_486, %dot_general3A_487 {dimension_numbers = #tpu.dot_dimension_numbers<[1], [1], [0], [0], [0, 0, 1, 0], [], []>, transpose_lhs_hint = false} : vector<256x34xf32>, vector<256x34xf32>, vector<256x256xf32> -> vector<256x256xf32>
      %exp23A = math.exp2 %dot_general3A_488 : vector<256x256xf32>
      %get3A_489 = arith.constant 0 : index
      %get3A_490 = memref.load %arg9[%get3A_489] : memref<1xf32, #tpu.memory_space<smem>>
      %reduce_sum3A_491 = vector.shape_cast %exp23A : vector<256x256xf32> to vector<1x256x256xf32>
      %reduce_sum3A_492 = arith.constant dense<0.000000e+00> : vector<1xf32>
      %reduce_sum3A_493 = vector.multi_reduction <add>, %reduce_sum3A_491, %reduce_sum3A_492 [1, 2] : vector<1x256x256xf32> to vector<1xf32>
      %reduce_sum3A_494 = vector.shape_cast %reduce_sum3A_493 : vector<1xf32> to vector<1x1x1xf32>
      %reduce_sum3A_495 = vector.extract %reduce_sum3A_494[0, 0, 0] : f32 from vector<1x1x1xf32>
      %add3A_496 = arith.addf %get3A_490, %reduce_sum3A_495 : f32
      %swap3A_497 = arith.constant 0 : index
      %swap3A_498 = memref.load %arg9[%swap3A_497] : memref<1xf32, #tpu.memory_space<smem>>
      memref.store %add3A_496, %arg9[%swap3A_497] : memref<1xf32, #tpu.memory_space<smem>>
    } else {
    }
    %gt3A_284 = arith.constant 768 : i32
    %gt3A_285 = arith.cmpi sgt, %get3A_25, %gt3A_284 : i32
    %convert_element_type3A_286 = arith.extui %gt3A_285 : i1 to i32
    %cond3A_287 = arith.constant 0 : i32
    %cond3A_288 = arith.cmpi ne, %convert_element_type3A_286, %cond3A_287 : i32
    scf.if %cond3A_288 {
      %slice3A_485 = vector.extract_strided_slice %concatenate3A_223 {offsets = [256, 0], sizes = [256, 34], strides = [1, 1]} : vector<2048x34xf32> to vector<256x34xf32>
      %slice3A_486 = vector.extract_strided_slice %concatenate3A_227 {offsets = [768, 0], sizes = [256, 34], strides = [1, 1]} : vector<2048x34xf32> to vector<256x34xf32>
      %dot_general3A_487 = arith.constant dense<0.000000e+00> : vector<256x256xf32>
      %dot_general3A_488 = tpu.matmul %slice3A_485, %slice3A_486, %dot_general3A_487 {dimension_numbers = #tpu.dot_dimension_numbers<[1], [1], [0], [0], [0, 0, 1, 0], [], []>, transpose_lhs_hint = false} : vector<256x34xf32>, vector<256x34xf32>, vector<256x256xf32> -> vector<256x256xf32>
      %exp23A = math.exp2 %dot_general3A_488 : vector<256x256xf32>
      %get3A_489 = arith.constant 0 : index
      %get3A_490 = memref.load %arg9[%get3A_489] : memref<1xf32, #tpu.memory_space<smem>>
      %reduce_sum3A_491 = vector.shape_cast %exp23A : vector<256x256xf32> to vector<1x256x256xf32>
      %reduce_sum3A_492 = arith.constant dense<0.000000e+00> : vector<1xf32>
      %reduce_sum3A_493 = vector.multi_reduction <add>, %reduce_sum3A_491, %reduce_sum3A_492 [1, 2] : vector<1x256x256xf32> to vector<1xf32>
      %reduce_sum3A_494 = vector.shape_cast %reduce_sum3A_493 : vector<1xf32> to vector<1x1x1xf32>
      %reduce_sum3A_495 = vector.extract %reduce_sum3A_494[0, 0, 0] : f32 from vector<1x1x1xf32>
      %add3A_496 = arith.addf %get3A_490, %reduce_sum3A_495 : f32
      %swap3A_497 = arith.constant 0 : index
      %swap3A_498 = memref.load %arg9[%swap3A_497] : memref<1xf32, #tpu.memory_space<smem>>
      memref.store %add3A_496, %arg9[%swap3A_497] : memref<1xf32, #tpu.memory_space<smem>>
    } else {
    }
    %gt3A_289 = arith.constant 1024 : i32
    %gt3A_290 = arith.cmpi sgt, %get3A_25, %gt3A_289 : i32
    %convert_element_type3A_291 = arith.extui %gt3A_290 : i1 to i32
    %cond3A_292 = arith.constant 0 : i32
    %cond3A_293 = arith.cmpi ne, %convert_element_type3A_291, %cond3A_292 : i32
    scf.if %cond3A_293 {
      %slice3A_485 = vector.extract_strided_slice %concatenate3A_223 {offsets = [256, 0], sizes = [256, 34], strides = [1, 1]} : vector<2048x34xf32> to vector<256x34xf32>
      %slice3A_486 = vector.extract_strided_slice %concatenate3A_227 {offsets = [1024, 0], sizes = [256, 34], strides = [1, 1]} : vector<2048x34xf32> to vector<256x34xf32>
      %dot_general3A_487 = arith.constant dense<0.000000e+00> : vector<256x256xf32>
      %dot_general3A_488 = tpu.matmul %slice3A_485, %slice3A_486, %dot_general3A_487 {dimension_numbers = #tpu.dot_dimension_numbers<[1], [1], [0], [0], [0, 0, 1, 0], [], []>, transpose_lhs_hint = false} : vector<256x34xf32>, vector<256x34xf32>, vector<256x256xf32> -> vector<256x256xf32>
      %exp23A = math.exp2 %dot_general3A_488 : vector<256x256xf32>
      %get3A_489 = arith.constant 0 : index
      %get3A_490 = memref.load %arg9[%get3A_489] : memref<1xf32, #tpu.memory_space<smem>>
      %reduce_sum3A_491 = vector.shape_cast %exp23A : vector<256x256xf32> to vector<1x256x256xf32>
      %reduce_sum3A_492 = arith.constant dense<0.000000e+00> : vector<1xf32>
      %reduce_sum3A_493 = vector.multi_reduction <add>, %reduce_sum3A_491, %reduce_sum3A_492 [1, 2] : vector<1x256x256xf32> to vector<1xf32>
      %reduce_sum3A_494 = vector.shape_cast %reduce_sum3A_493 : vector<1xf32> to vector<1x1x1xf32>
      %reduce_sum3A_495 = vector.extract %reduce_sum3A_494[0, 0, 0] : f32 from vector<1x1x1xf32>
      %add3A_496 = arith.addf %get3A_490, %reduce_sum3A_495 : f32
      %swap3A_497 = arith.constant 0 : index
      %swap3A_498 = memref.load %arg9[%swap3A_497] : memref<1xf32, #tpu.memory_space<smem>>
      memref.store %add3A_496, %arg9[%swap3A_497] : memref<1xf32, #tpu.memory_space<smem>>
    } else {
    }
    %gt3A_294 = arith.constant 1280 : i32
    %gt3A_295 = arith.cmpi sgt, %get3A_25, %gt3A_294 : i32
    %convert_element_type3A_296 = arith.extui %gt3A_295 : i1 to i32
    %cond3A_297 = arith.constant 0 : i32
    %cond3A_298 = arith.cmpi ne, %convert_element_type3A_296, %cond3A_297 : i32
    scf.if %cond3A_298 {
      %slice3A_485 = vector.extract_strided_slice %concatenate3A_223 {offsets = [256, 0], sizes = [256, 34], strides = [1, 1]} : vector<2048x34xf32> to vector<256x34xf32>
      %slice3A_486 = vector.extract_strided_slice %concatenate3A_227 {offsets = [1280, 0], sizes = [256, 34], strides = [1, 1]} : vector<2048x34xf32> to vector<256x34xf32>
      %dot_general3A_487 = arith.constant dense<0.000000e+00> : vector<256x256xf32>
      %dot_general3A_488 = tpu.matmul %slice3A_485, %slice3A_486, %dot_general3A_487 {dimension_numbers = #tpu.dot_dimension_numbers<[1], [1], [0], [0], [0, 0, 1, 0], [], []>, transpose_lhs_hint = false} : vector<256x34xf32>, vector<256x34xf32>, vector<256x256xf32> -> vector<256x256xf32>
      %exp23A = math.exp2 %dot_general3A_488 : vector<256x256xf32>
      %get3A_489 = arith.constant 0 : index
      %get3A_490 = memref.load %arg9[%get3A_489] : memref<1xf32, #tpu.memory_space<smem>>
      %reduce_sum3A_491 = vector.shape_cast %exp23A : vector<256x256xf32> to vector<1x256x256xf32>
      %reduce_sum3A_492 = arith.constant dense<0.000000e+00> : vector<1xf32>
      %reduce_sum3A_493 = vector.multi_reduction <add>, %reduce_sum3A_491, %reduce_sum3A_492 [1, 2] : vector<1x256x256xf32> to vector<1xf32>
      %reduce_sum3A_494 = vector.shape_cast %reduce_sum3A_493 : vector<1xf32> to vector<1x1x1xf32>
      %reduce_sum3A_495 = vector.extract %reduce_sum3A_494[0, 0, 0] : f32 from vector<1x1x1xf32>
      %add3A_496 = arith.addf %get3A_490, %reduce_sum3A_495 : f32
      %swap3A_497 = arith.constant 0 : index
      %swap3A_498 = memref.load %arg9[%swap3A_497] : memref<1xf32, #tpu.memory_space<smem>>
      memref.store %add3A_496, %arg9[%swap3A_497] : memref<1xf32, #tpu.memory_space<smem>>
    } else {
    }
    %gt3A_299 = arith.constant 1536 : i32
    %gt3A_300 = arith.cmpi sgt, %get3A_25, %gt3A_299 : i32
    %convert_element_type3A_301 = arith.extui %gt3A_300 : i1 to i32
    %cond3A_302 = arith.constant 0 : i32
    %cond3A_303 = arith.cmpi ne, %convert_element_type3A_301, %cond3A_302 : i32
    scf.if %cond3A_303 {
      %slice3A_485 = vector.extract_strided_slice %concatenate3A_223 {offsets = [256, 0], sizes = [256, 34], strides = [1, 1]} : vector<2048x34xf32> to vector<256x34xf32>
      %slice3A_486 = vector.extract_strided_slice %concatenate3A_227 {offsets = [1536, 0], sizes = [256, 34], strides = [1, 1]} : vector<2048x34xf32> to vector<256x34xf32>
      %dot_general3A_487 = arith.constant dense<0.000000e+00> : vector<256x256xf32>
      %dot_general3A_488 = tpu.matmul %slice3A_485, %slice3A_486, %dot_general3A_487 {dimension_numbers = #tpu.dot_dimension_numbers<[1], [1], [0], [0], [0, 0, 1, 0], [], []>, transpose_lhs_hint = false} : vector<256x34xf32>, vector<256x34xf32>, vector<256x256xf32> -> vector<256x256xf32>
      %exp23A = math.exp2 %dot_general3A_488 : vector<256x256xf32>
      %get3A_489 = arith.constant 0 : index
      %get3A_490 = memref.load %arg9[%get3A_489] : memref<1xf32, #tpu.memory_space<smem>>
      %reduce_sum3A_491 = vector.shape_cast %exp23A : vector<256x256xf32> to vector<1x256x256xf32>
      %reduce_sum3A_492 = arith.constant dense<0.000000e+00> : vector<1xf32>
      %reduce_sum3A_493 = vector.multi_reduction <add>, %reduce_sum3A_491, %reduce_sum3A_492 [1, 2] : vector<1x256x256xf32> to vector<1xf32>
      %reduce_sum3A_494 = vector.shape_cast %reduce_sum3A_493 : vector<1xf32> to vector<1x1x1xf32>
      %reduce_sum3A_495 = vector.extract %reduce_sum3A_494[0, 0, 0] : f32 from vector<1x1x1xf32>
      %add3A_496 = arith.addf %get3A_490, %reduce_sum3A_495 : f32
      %swap3A_497 = arith.constant 0 : index
      %swap3A_498 = memref.load %arg9[%swap3A_497] : memref<1xf32, #tpu.memory_space<smem>>
      memref.store %add3A_496, %arg9[%swap3A_497] : memref<1xf32, #tpu.memory_space<smem>>
    } else {
    }
    %gt3A_304 = arith.constant 1792 : i32
    %gt3A_305 = arith.cmpi sgt, %get3A_25, %gt3A_304 : i32
    %convert_element_type3A_306 = arith.extui %gt3A_305 : i1 to i32
    %cond3A_307 = arith.constant 0 : i32
    %cond3A_308 = arith.cmpi ne, %convert_element_type3A_306, %cond3A_307 : i32
    scf.if %cond3A_308 {
      %slice3A_485 = vector.extract_strided_slice %concatenate3A_223 {offsets = [256, 0], sizes = [256, 34], strides = [1, 1]} : vector<2048x34xf32> to vector<256x34xf32>
      %slice3A_486 = vector.extract_strided_slice %concatenate3A_227 {offsets = [1792, 0], sizes = [256, 34], strides = [1, 1]} : vector<2048x34xf32> to vector<256x34xf32>
      %dot_general3A_487 = arith.constant dense<0.000000e+00> : vector<256x256xf32>
      %dot_general3A_488 = tpu.matmul %slice3A_485, %slice3A_486, %dot_general3A_487 {dimension_numbers = #tpu.dot_dimension_numbers<[1], [1], [0], [0], [0, 0, 1, 0], [], []>, transpose_lhs_hint = false} : vector<256x34xf32>, vector<256x34xf32>, vector<256x256xf32> -> vector<256x256xf32>
      %exp23A = math.exp2 %dot_general3A_488 : vector<256x256xf32>
      %get3A_489 = arith.constant 0 : index
      %get3A_490 = memref.load %arg9[%get3A_489] : memref<1xf32, #tpu.memory_space<smem>>
      %reduce_sum3A_491 = vector.shape_cast %exp23A : vector<256x256xf32> to vector<1x256x256xf32>
      %reduce_sum3A_492 = arith.constant dense<0.000000e+00> : vector<1xf32>
      %reduce_sum3A_493 = vector.multi_reduction <add>, %reduce_sum3A_491, %reduce_sum3A_492 [1, 2] : vector<1x256x256xf32> to vector<1xf32>
      %reduce_sum3A_494 = vector.shape_cast %reduce_sum3A_493 : vector<1xf32> to vector<1x1x1xf32>
      %reduce_sum3A_495 = vector.extract %reduce_sum3A_494[0, 0, 0] : f32 from vector<1x1x1xf32>
      %add3A_496 = arith.addf %get3A_490, %reduce_sum3A_495 : f32
      %swap3A_497 = arith.constant 0 : index
      %swap3A_498 = memref.load %arg9[%swap3A_497] : memref<1xf32, #tpu.memory_space<smem>>
      memref.store %add3A_496, %arg9[%swap3A_497] : memref<1xf32, #tpu.memory_space<smem>>
    } else {
    }
    %gt3A_309 = arith.constant 512 : i32
    %gt3A_310 = arith.cmpi sgt, %get3A_25, %gt3A_309 : i32
    %convert_element_type3A_311 = arith.extui %gt3A_310 : i1 to i32
    %cond3A_312 = arith.constant 0 : i32
    %cond3A_313 = arith.cmpi ne, %convert_element_type3A_311, %cond3A_312 : i32
    scf.if %cond3A_313 {
      %slice3A_485 = vector.extract_strided_slice %concatenate3A_223 {offsets = [512, 0], sizes = [256, 34], strides = [1, 1]} : vector<2048x34xf32> to vector<256x34xf32>
      %slice3A_486 = vector.extract_strided_slice %concatenate3A_227 {offsets = [512, 0], sizes = [256, 34], strides = [1, 1]} : vector<2048x34xf32> to vector<256x34xf32>
      %dot_general3A_487 = arith.constant dense<0.000000e+00> : vector<256x256xf32>
      %dot_general3A_488 = tpu.matmul %slice3A_485, %slice3A_486, %dot_general3A_487 {dimension_numbers = #tpu.dot_dimension_numbers<[1], [1], [0], [0], [0, 0, 1, 0], [], []>, transpose_lhs_hint = false} : vector<256x34xf32>, vector<256x34xf32>, vector<256x256xf32> -> vector<256x256xf32>
      %exp23A = math.exp2 %dot_general3A_488 : vector<256x256xf32>
      %mul3A_489 = arith.mulf %exp23A, %convert_element_type3A_232 : vector<256x256xf32>
      %get3A_490 = arith.constant 0 : index
      %get3A_491 = memref.load %arg9[%get3A_490] : memref<1xf32, #tpu.memory_space<smem>>
      %reduce_sum3A_492 = vector.shape_cast %mul3A_489 : vector<256x256xf32> to vector<1x256x256xf32>
      %reduce_sum3A_493 = arith.constant dense<0.000000e+00> : vector<1xf32>
      %reduce_sum3A_494 = vector.multi_reduction <add>, %reduce_sum3A_492, %reduce_sum3A_493 [1, 2] : vector<1x256x256xf32> to vector<1xf32>
      %reduce_sum3A_495 = vector.shape_cast %reduce_sum3A_494 : vector<1xf32> to vector<1x1x1xf32>
      %reduce_sum3A_496 = vector.extract %reduce_sum3A_495[0, 0, 0] : f32 from vector<1x1x1xf32>
      %add3A_497 = arith.addf %get3A_491, %reduce_sum3A_496 : f32
      %swap3A_498 = arith.constant 0 : index
      %swap3A_499 = memref.load %arg9[%swap3A_498] : memref<1xf32, #tpu.memory_space<smem>>
      memref.store %add3A_497, %arg9[%swap3A_498] : memref<1xf32, #tpu.memory_space<smem>>
    } else {
    }
    %gt3A_314 = arith.constant 768 : i32
    %gt3A_315 = arith.cmpi sgt, %get3A_25, %gt3A_314 : i32
    %convert_element_type3A_316 = arith.extui %gt3A_315 : i1 to i32
    %cond3A_317 = arith.constant 0 : i32
    %cond3A_318 = arith.cmpi ne, %convert_element_type3A_316, %cond3A_317 : i32
    scf.if %cond3A_318 {
      %slice3A_485 = vector.extract_strided_slice %concatenate3A_223 {offsets = [512, 0], sizes = [256, 34], strides = [1, 1]} : vector<2048x34xf32> to vector<256x34xf32>
      %slice3A_486 = vector.extract_strided_slice %concatenate3A_227 {offsets = [768, 0], sizes = [256, 34], strides = [1, 1]} : vector<2048x34xf32> to vector<256x34xf32>
      %dot_general3A_487 = arith.constant dense<0.000000e+00> : vector<256x256xf32>
      %dot_general3A_488 = tpu.matmul %slice3A_485, %slice3A_486, %dot_general3A_487 {dimension_numbers = #tpu.dot_dimension_numbers<[1], [1], [0], [0], [0, 0, 1, 0], [], []>, transpose_lhs_hint = false} : vector<256x34xf32>, vector<256x34xf32>, vector<256x256xf32> -> vector<256x256xf32>
      %exp23A = math.exp2 %dot_general3A_488 : vector<256x256xf32>
      %get3A_489 = arith.constant 0 : index
      %get3A_490 = memref.load %arg9[%get3A_489] : memref<1xf32, #tpu.memory_space<smem>>
      %reduce_sum3A_491 = vector.shape_cast %exp23A : vector<256x256xf32> to vector<1x256x256xf32>
      %reduce_sum3A_492 = arith.constant dense<0.000000e+00> : vector<1xf32>
      %reduce_sum3A_493 = vector.multi_reduction <add>, %reduce_sum3A_491, %reduce_sum3A_492 [1, 2] : vector<1x256x256xf32> to vector<1xf32>
      %reduce_sum3A_494 = vector.shape_cast %reduce_sum3A_493 : vector<1xf32> to vector<1x1x1xf32>
      %reduce_sum3A_495 = vector.extract %reduce_sum3A_494[0, 0, 0] : f32 from vector<1x1x1xf32>
      %add3A_496 = arith.addf %get3A_490, %reduce_sum3A_495 : f32
      %swap3A_497 = arith.constant 0 : index
      %swap3A_498 = memref.load %arg9[%swap3A_497] : memref<1xf32, #tpu.memory_space<smem>>
      memref.store %add3A_496, %arg9[%swap3A_497] : memref<1xf32, #tpu.memory_space<smem>>
    } else {
    }
    %gt3A_319 = arith.constant 1024 : i32
    %gt3A_320 = arith.cmpi sgt, %get3A_25, %gt3A_319 : i32
    %convert_element_type3A_321 = arith.extui %gt3A_320 : i1 to i32
    %cond3A_322 = arith.constant 0 : i32
    %cond3A_323 = arith.cmpi ne, %convert_element_type3A_321, %cond3A_322 : i32
    scf.if %cond3A_323 {
      %slice3A_485 = vector.extract_strided_slice %concatenate3A_223 {offsets = [512, 0], sizes = [256, 34], strides = [1, 1]} : vector<2048x34xf32> to vector<256x34xf32>
      %slice3A_486 = vector.extract_strided_slice %concatenate3A_227 {offsets = [1024, 0], sizes = [256, 34], strides = [1, 1]} : vector<2048x34xf32> to vector<256x34xf32>
      %dot_general3A_487 = arith.constant dense<0.000000e+00> : vector<256x256xf32>
      %dot_general3A_488 = tpu.matmul %slice3A_485, %slice3A_486, %dot_general3A_487 {dimension_numbers = #tpu.dot_dimension_numbers<[1], [1], [0], [0], [0, 0, 1, 0], [], []>, transpose_lhs_hint = false} : vector<256x34xf32>, vector<256x34xf32>, vector<256x256xf32> -> vector<256x256xf32>
      %exp23A = math.exp2 %dot_general3A_488 : vector<256x256xf32>
      %get3A_489 = arith.constant 0 : index
      %get3A_490 = memref.load %arg9[%get3A_489] : memref<1xf32, #tpu.memory_space<smem>>
      %reduce_sum3A_491 = vector.shape_cast %exp23A : vector<256x256xf32> to vector<1x256x256xf32>
      %reduce_sum3A_492 = arith.constant dense<0.000000e+00> : vector<1xf32>
      %reduce_sum3A_493 = vector.multi_reduction <add>, %reduce_sum3A_491, %reduce_sum3A_492 [1, 2] : vector<1x256x256xf32> to vector<1xf32>
      %reduce_sum3A_494 = vector.shape_cast %reduce_sum3A_493 : vector<1xf32> to vector<1x1x1xf32>
      %reduce_sum3A_495 = vector.extract %reduce_sum3A_494[0, 0, 0] : f32 from vector<1x1x1xf32>
      %add3A_496 = arith.addf %get3A_490, %reduce_sum3A_495 : f32
      %swap3A_497 = arith.constant 0 : index
      %swap3A_498 = memref.load %arg9[%swap3A_497] : memref<1xf32, #tpu.memory_space<smem>>
      memref.store %add3A_496, %arg9[%swap3A_497] : memref<1xf32, #tpu.memory_space<smem>>
    } else {
    }
    %gt3A_324 = arith.constant 1280 : i32
    %gt3A_325 = arith.cmpi sgt, %get3A_25, %gt3A_324 : i32
    %convert_element_type3A_326 = arith.extui %gt3A_325 : i1 to i32
    %cond3A_327 = arith.constant 0 : i32
    %cond3A_328 = arith.cmpi ne, %convert_element_type3A_326, %cond3A_327 : i32
    scf.if %cond3A_328 {
      %slice3A_485 = vector.extract_strided_slice %concatenate3A_223 {offsets = [512, 0], sizes = [256, 34], strides = [1, 1]} : vector<2048x34xf32> to vector<256x34xf32>
      %slice3A_486 = vector.extract_strided_slice %concatenate3A_227 {offsets = [1280, 0], sizes = [256, 34], strides = [1, 1]} : vector<2048x34xf32> to vector<256x34xf32>
      %dot_general3A_487 = arith.constant dense<0.000000e+00> : vector<256x256xf32>
      %dot_general3A_488 = tpu.matmul %slice3A_485, %slice3A_486, %dot_general3A_487 {dimension_numbers = #tpu.dot_dimension_numbers<[1], [1], [0], [0], [0, 0, 1, 0], [], []>, transpose_lhs_hint = false} : vector<256x34xf32>, vector<256x34xf32>, vector<256x256xf32> -> vector<256x256xf32>
      %exp23A = math.exp2 %dot_general3A_488 : vector<256x256xf32>
      %get3A_489 = arith.constant 0 : index
      %get3A_490 = memref.load %arg9[%get3A_489] : memref<1xf32, #tpu.memory_space<smem>>
      %reduce_sum3A_491 = vector.shape_cast %exp23A : vector<256x256xf32> to vector<1x256x256xf32>
      %reduce_sum3A_492 = arith.constant dense<0.000000e+00> : vector<1xf32>
      %reduce_sum3A_493 = vector.multi_reduction <add>, %reduce_sum3A_491, %reduce_sum3A_492 [1, 2] : vector<1x256x256xf32> to vector<1xf32>
      %reduce_sum3A_494 = vector.shape_cast %reduce_sum3A_493 : vector<1xf32> to vector<1x1x1xf32>
      %reduce_sum3A_495 = vector.extract %reduce_sum3A_494[0, 0, 0] : f32 from vector<1x1x1xf32>
      %add3A_496 = arith.addf %get3A_490, %reduce_sum3A_495 : f32
      %swap3A_497 = arith.constant 0 : index
      %swap3A_498 = memref.load %arg9[%swap3A_497] : memref<1xf32, #tpu.memory_space<smem>>
      memref.store %add3A_496, %arg9[%swap3A_497] : memref<1xf32, #tpu.memory_space<smem>>
    } else {
    }
    %gt3A_329 = arith.constant 1536 : i32
    %gt3A_330 = arith.cmpi sgt, %get3A_25, %gt3A_329 : i32
    %convert_element_type3A_331 = arith.extui %gt3A_330 : i1 to i32
    %cond3A_332 = arith.constant 0 : i32
    %cond3A_333 = arith.cmpi ne, %convert_element_type3A_331, %cond3A_332 : i32
    scf.if %cond3A_333 {
      %slice3A_485 = vector.extract_strided_slice %concatenate3A_223 {offsets = [512, 0], sizes = [256, 34], strides = [1, 1]} : vector<2048x34xf32> to vector<256x34xf32>
      %slice3A_486 = vector.extract_strided_slice %concatenate3A_227 {offsets = [1536, 0], sizes = [256, 34], strides = [1, 1]} : vector<2048x34xf32> to vector<256x34xf32>
      %dot_general3A_487 = arith.constant dense<0.000000e+00> : vector<256x256xf32>
      %dot_general3A_488 = tpu.matmul %slice3A_485, %slice3A_486, %dot_general3A_487 {dimension_numbers = #tpu.dot_dimension_numbers<[1], [1], [0], [0], [0, 0, 1, 0], [], []>, transpose_lhs_hint = false} : vector<256x34xf32>, vector<256x34xf32>, vector<256x256xf32> -> vector<256x256xf32>
      %exp23A = math.exp2 %dot_general3A_488 : vector<256x256xf32>
      %get3A_489 = arith.constant 0 : index
      %get3A_490 = memref.load %arg9[%get3A_489] : memref<1xf32, #tpu.memory_space<smem>>
      %reduce_sum3A_491 = vector.shape_cast %exp23A : vector<256x256xf32> to vector<1x256x256xf32>
      %reduce_sum3A_492 = arith.constant dense<0.000000e+00> : vector<1xf32>
      %reduce_sum3A_493 = vector.multi_reduction <add>, %reduce_sum3A_491, %reduce_sum3A_492 [1, 2] : vector<1x256x256xf32> to vector<1xf32>
      %reduce_sum3A_494 = vector.shape_cast %reduce_sum3A_493 : vector<1xf32> to vector<1x1x1xf32>
      %reduce_sum3A_495 = vector.extract %reduce_sum3A_494[0, 0, 0] : f32 from vector<1x1x1xf32>
      %add3A_496 = arith.addf %get3A_490, %reduce_sum3A_495 : f32
      %swap3A_497 = arith.constant 0 : index
      %swap3A_498 = memref.load %arg9[%swap3A_497] : memref<1xf32, #tpu.memory_space<smem>>
      memref.store %add3A_496, %arg9[%swap3A_497] : memref<1xf32, #tpu.memory_space<smem>>
    } else {
    }
    %gt3A_334 = arith.constant 1792 : i32
    %gt3A_335 = arith.cmpi sgt, %get3A_25, %gt3A_334 : i32
    %convert_element_type3A_336 = arith.extui %gt3A_335 : i1 to i32
    %cond3A_337 = arith.constant 0 : i32
    %cond3A_338 = arith.cmpi ne, %convert_element_type3A_336, %cond3A_337 : i32
    scf.if %cond3A_338 {
      %slice3A_485 = vector.extract_strided_slice %concatenate3A_223 {offsets = [512, 0], sizes = [256, 34], strides = [1, 1]} : vector<2048x34xf32> to vector<256x34xf32>
      %slice3A_486 = vector.extract_strided_slice %concatenate3A_227 {offsets = [1792, 0], sizes = [256, 34], strides = [1, 1]} : vector<2048x34xf32> to vector<256x34xf32>
      %dot_general3A_487 = arith.constant dense<0.000000e+00> : vector<256x256xf32>
      %dot_general3A_488 = tpu.matmul %slice3A_485, %slice3A_486, %dot_general3A_487 {dimension_numbers = #tpu.dot_dimension_numbers<[1], [1], [0], [0], [0, 0, 1, 0], [], []>, transpose_lhs_hint = false} : vector<256x34xf32>, vector<256x34xf32>, vector<256x256xf32> -> vector<256x256xf32>
      %exp23A = math.exp2 %dot_general3A_488 : vector<256x256xf32>
      %get3A_489 = arith.constant 0 : index
      %get3A_490 = memref.load %arg9[%get3A_489] : memref<1xf32, #tpu.memory_space<smem>>
      %reduce_sum3A_491 = vector.shape_cast %exp23A : vector<256x256xf32> to vector<1x256x256xf32>
      %reduce_sum3A_492 = arith.constant dense<0.000000e+00> : vector<1xf32>
      %reduce_sum3A_493 = vector.multi_reduction <add>, %reduce_sum3A_491, %reduce_sum3A_492 [1, 2] : vector<1x256x256xf32> to vector<1xf32>
      %reduce_sum3A_494 = vector.shape_cast %reduce_sum3A_493 : vector<1xf32> to vector<1x1x1xf32>
      %reduce_sum3A_495 = vector.extract %reduce_sum3A_494[0, 0, 0] : f32 from vector<1x1x1xf32>
      %add3A_496 = arith.addf %get3A_490, %reduce_sum3A_495 : f32
      %swap3A_497 = arith.constant 0 : index
      %swap3A_498 = memref.load %arg9[%swap3A_497] : memref<1xf32, #tpu.memory_space<smem>>
      memref.store %add3A_496, %arg9[%swap3A_497] : memref<1xf32, #tpu.memory_space<smem>>
    } else {
    }
    %gt3A_339 = arith.constant 768 : i32
    %gt3A_340 = arith.cmpi sgt, %get3A_25, %gt3A_339 : i32
    %convert_element_type3A_341 = arith.extui %gt3A_340 : i1 to i32
    %cond3A_342 = arith.constant 0 : i32
    %cond3A_343 = arith.cmpi ne, %convert_element_type3A_341, %cond3A_342 : i32
    scf.if %cond3A_343 {
      %slice3A_485 = vector.extract_strided_slice %concatenate3A_223 {offsets = [768, 0], sizes = [256, 34], strides = [1, 1]} : vector<2048x34xf32> to vector<256x34xf32>
      %slice3A_486 = vector.extract_strided_slice %concatenate3A_227 {offsets = [768, 0], sizes = [256, 34], strides = [1, 1]} : vector<2048x34xf32> to vector<256x34xf32>
      %dot_general3A_487 = arith.constant dense<0.000000e+00> : vector<256x256xf32>
      %dot_general3A_488 = tpu.matmul %slice3A_485, %slice3A_486, %dot_general3A_487 {dimension_numbers = #tpu.dot_dimension_numbers<[1], [1], [0], [0], [0, 0, 1, 0], [], []>, transpose_lhs_hint = false} : vector<256x34xf32>, vector<256x34xf32>, vector<256x256xf32> -> vector<256x256xf32>
      %exp23A = math.exp2 %dot_general3A_488 : vector<256x256xf32>
      %mul3A_489 = arith.mulf %exp23A, %convert_element_type3A_232 : vector<256x256xf32>
      %get3A_490 = arith.constant 0 : index
      %get3A_491 = memref.load %arg9[%get3A_490] : memref<1xf32, #tpu.memory_space<smem>>
      %reduce_sum3A_492 = vector.shape_cast %mul3A_489 : vector<256x256xf32> to vector<1x256x256xf32>
      %reduce_sum3A_493 = arith.constant dense<0.000000e+00> : vector<1xf32>
      %reduce_sum3A_494 = vector.multi_reduction <add>, %reduce_sum3A_492, %reduce_sum3A_493 [1, 2] : vector<1x256x256xf32> to vector<1xf32>
      %reduce_sum3A_495 = vector.shape_cast %reduce_sum3A_494 : vector<1xf32> to vector<1x1x1xf32>
      %reduce_sum3A_496 = vector.extract %reduce_sum3A_495[0, 0, 0] : f32 from vector<1x1x1xf32>
      %add3A_497 = arith.addf %get3A_491, %reduce_sum3A_496 : f32
      %swap3A_498 = arith.constant 0 : index
      %swap3A_499 = memref.load %arg9[%swap3A_498] : memref<1xf32, #tpu.memory_space<smem>>
      memref.store %add3A_497, %arg9[%swap3A_498] : memref<1xf32, #tpu.memory_space<smem>>
    } else {
    }
    %gt3A_344 = arith.constant 1024 : i32
    %gt3A_345 = arith.cmpi sgt, %get3A_25, %gt3A_344 : i32
    %convert_element_type3A_346 = arith.extui %gt3A_345 : i1 to i32
    %cond3A_347 = arith.constant 0 : i32
    %cond3A_348 = arith.cmpi ne, %convert_element_type3A_346, %cond3A_347 : i32
    scf.if %cond3A_348 {
      %slice3A_485 = vector.extract_strided_slice %concatenate3A_223 {offsets = [768, 0], sizes = [256, 34], strides = [1, 1]} : vector<2048x34xf32> to vector<256x34xf32>
      %slice3A_486 = vector.extract_strided_slice %concatenate3A_227 {offsets = [1024, 0], sizes = [256, 34], strides = [1, 1]} : vector<2048x34xf32> to vector<256x34xf32>
      %dot_general3A_487 = arith.constant dense<0.000000e+00> : vector<256x256xf32>
      %dot_general3A_488 = tpu.matmul %slice3A_485, %slice3A_486, %dot_general3A_487 {dimension_numbers = #tpu.dot_dimension_numbers<[1], [1], [0], [0], [0, 0, 1, 0], [], []>, transpose_lhs_hint = false} : vector<256x34xf32>, vector<256x34xf32>, vector<256x256xf32> -> vector<256x256xf32>
      %exp23A = math.exp2 %dot_general3A_488 : vector<256x256xf32>
      %get3A_489 = arith.constant 0 : index
      %get3A_490 = memref.load %arg9[%get3A_489] : memref<1xf32, #tpu.memory_space<smem>>
      %reduce_sum3A_491 = vector.shape_cast %exp23A : vector<256x256xf32> to vector<1x256x256xf32>
      %reduce_sum3A_492 = arith.constant dense<0.000000e+00> : vector<1xf32>
      %reduce_sum3A_493 = vector.multi_reduction <add>, %reduce_sum3A_491, %reduce_sum3A_492 [1, 2] : vector<1x256x256xf32> to vector<1xf32>
      %reduce_sum3A_494 = vector.shape_cast %reduce_sum3A_493 : vector<1xf32> to vector<1x1x1xf32>
      %reduce_sum3A_495 = vector.extract %reduce_sum3A_494[0, 0, 0] : f32 from vector<1x1x1xf32>
      %add3A_496 = arith.addf %get3A_490, %reduce_sum3A_495 : f32
      %swap3A_497 = arith.constant 0 : index
      %swap3A_498 = memref.load %arg9[%swap3A_497] : memref<1xf32, #tpu.memory_space<smem>>
      memref.store %add3A_496, %arg9[%swap3A_497] : memref<1xf32, #tpu.memory_space<smem>>
    } else {
    }
    %gt3A_349 = arith.constant 1280 : i32
    %gt3A_350 = arith.cmpi sgt, %get3A_25, %gt3A_349 : i32
    %convert_element_type3A_351 = arith.extui %gt3A_350 : i1 to i32
    %cond3A_352 = arith.constant 0 : i32
    %cond3A_353 = arith.cmpi ne, %convert_element_type3A_351, %cond3A_352 : i32
    scf.if %cond3A_353 {
      %slice3A_485 = vector.extract_strided_slice %concatenate3A_223 {offsets = [768, 0], sizes = [256, 34], strides = [1, 1]} : vector<2048x34xf32> to vector<256x34xf32>
      %slice3A_486 = vector.extract_strided_slice %concatenate3A_227 {offsets = [1280, 0], sizes = [256, 34], strides = [1, 1]} : vector<2048x34xf32> to vector<256x34xf32>
      %dot_general3A_487 = arith.constant dense<0.000000e+00> : vector<256x256xf32>
      %dot_general3A_488 = tpu.matmul %slice3A_485, %slice3A_486, %dot_general3A_487 {dimension_numbers = #tpu.dot_dimension_numbers<[1], [1], [0], [0], [0, 0, 1, 0], [], []>, transpose_lhs_hint = false} : vector<256x34xf32>, vector<256x34xf32>, vector<256x256xf32> -> vector<256x256xf32>
      %exp23A = math.exp2 %dot_general3A_488 : vector<256x256xf32>
      %get3A_489 = arith.constant 0 : index
      %get3A_490 = memref.load %arg9[%get3A_489] : memref<1xf32, #tpu.memory_space<smem>>
      %reduce_sum3A_491 = vector.shape_cast %exp23A : vector<256x256xf32> to vector<1x256x256xf32>
      %reduce_sum3A_492 = arith.constant dense<0.000000e+00> : vector<1xf32>
      %reduce_sum3A_493 = vector.multi_reduction <add>, %reduce_sum3A_491, %reduce_sum3A_492 [1, 2] : vector<1x256x256xf32> to vector<1xf32>
      %reduce_sum3A_494 = vector.shape_cast %reduce_sum3A_493 : vector<1xf32> to vector<1x1x1xf32>
      %reduce_sum3A_495 = vector.extract %reduce_sum3A_494[0, 0, 0] : f32 from vector<1x1x1xf32>
      %add3A_496 = arith.addf %get3A_490, %reduce_sum3A_495 : f32
      %swap3A_497 = arith.constant 0 : index
      %swap3A_498 = memref.load %arg9[%swap3A_497] : memref<1xf32, #tpu.memory_space<smem>>
      memref.store %add3A_496, %arg9[%swap3A_497] : memref<1xf32, #tpu.memory_space<smem>>
    } else {
    }
    %gt3A_354 = arith.constant 1536 : i32
    %gt3A_355 = arith.cmpi sgt, %get3A_25, %gt3A_354 : i32
    %convert_element_type3A_356 = arith.extui %gt3A_355 : i1 to i32
    %cond3A_357 = arith.constant 0 : i32
    %cond3A_358 = arith.cmpi ne, %convert_element_type3A_356, %cond3A_357 : i32
    scf.if %cond3A_358 {
      %slice3A_485 = vector.extract_strided_slice %concatenate3A_223 {offsets = [768, 0], sizes = [256, 34], strides = [1, 1]} : vector<2048x34xf32> to vector<256x34xf32>
      %slice3A_486 = vector.extract_strided_slice %concatenate3A_227 {offsets = [1536, 0], sizes = [256, 34], strides = [1, 1]} : vector<2048x34xf32> to vector<256x34xf32>
      %dot_general3A_487 = arith.constant dense<0.000000e+00> : vector<256x256xf32>
      %dot_general3A_488 = tpu.matmul %slice3A_485, %slice3A_486, %dot_general3A_487 {dimension_numbers = #tpu.dot_dimension_numbers<[1], [1], [0], [0], [0, 0, 1, 0], [], []>, transpose_lhs_hint = false} : vector<256x34xf32>, vector<256x34xf32>, vector<256x256xf32> -> vector<256x256xf32>
      %exp23A = math.exp2 %dot_general3A_488 : vector<256x256xf32>
      %get3A_489 = arith.constant 0 : index
      %get3A_490 = memref.load %arg9[%get3A_489] : memref<1xf32, #tpu.memory_space<smem>>
      %reduce_sum3A_491 = vector.shape_cast %exp23A : vector<256x256xf32> to vector<1x256x256xf32>
      %reduce_sum3A_492 = arith.constant dense<0.000000e+00> : vector<1xf32>
      %reduce_sum3A_493 = vector.multi_reduction <add>, %reduce_sum3A_491, %reduce_sum3A_492 [1, 2] : vector<1x256x256xf32> to vector<1xf32>
      %reduce_sum3A_494 = vector.shape_cast %reduce_sum3A_493 : vector<1xf32> to vector<1x1x1xf32>
      %reduce_sum3A_495 = vector.extract %reduce_sum3A_494[0, 0, 0] : f32 from vector<1x1x1xf32>
      %add3A_496 = arith.addf %get3A_490, %reduce_sum3A_495 : f32
      %swap3A_497 = arith.constant 0 : index
      %swap3A_498 = memref.load %arg9[%swap3A_497] : memref<1xf32, #tpu.memory_space<smem>>
      memref.store %add3A_496, %arg9[%swap3A_497] : memref<1xf32, #tpu.memory_space<smem>>
    } else {
    }
    %gt3A_359 = arith.constant 1792 : i32
    %gt3A_360 = arith.cmpi sgt, %get3A_25, %gt3A_359 : i32
    %convert_element_type3A_361 = arith.extui %gt3A_360 : i1 to i32
    %cond3A_362 = arith.constant 0 : i32
    %cond3A_363 = arith.cmpi ne, %convert_element_type3A_361, %cond3A_362 : i32
    scf.if %cond3A_363 {
      %slice3A_485 = vector.extract_strided_slice %concatenate3A_223 {offsets = [768, 0], sizes = [256, 34], strides = [1, 1]} : vector<2048x34xf32> to vector<256x34xf32>
      %slice3A_486 = vector.extract_strided_slice %concatenate3A_227 {offsets = [1792, 0], sizes = [256, 34], strides = [1, 1]} : vector<2048x34xf32> to vector<256x34xf32>
      %dot_general3A_487 = arith.constant dense<0.000000e+00> : vector<256x256xf32>
      %dot_general3A_488 = tpu.matmul %slice3A_485, %slice3A_486, %dot_general3A_487 {dimension_numbers = #tpu.dot_dimension_numbers<[1], [1], [0], [0], [0, 0, 1, 0], [], []>, transpose_lhs_hint = false} : vector<256x34xf32>, vector<256x34xf32>, vector<256x256xf32> -> vector<256x256xf32>
      %exp23A = math.exp2 %dot_general3A_488 : vector<256x256xf32>
      %get3A_489 = arith.constant 0 : index
      %get3A_490 = memref.load %arg9[%get3A_489] : memref<1xf32, #tpu.memory_space<smem>>
      %reduce_sum3A_491 = vector.shape_cast %exp23A : vector<256x256xf32> to vector<1x256x256xf32>
      %reduce_sum3A_492 = arith.constant dense<0.000000e+00> : vector<1xf32>
      %reduce_sum3A_493 = vector.multi_reduction <add>, %reduce_sum3A_491, %reduce_sum3A_492 [1, 2] : vector<1x256x256xf32> to vector<1xf32>
      %reduce_sum3A_494 = vector.shape_cast %reduce_sum3A_493 : vector<1xf32> to vector<1x1x1xf32>
      %reduce_sum3A_495 = vector.extract %reduce_sum3A_494[0, 0, 0] : f32 from vector<1x1x1xf32>
      %add3A_496 = arith.addf %get3A_490, %reduce_sum3A_495 : f32
      %swap3A_497 = arith.constant 0 : index
      %swap3A_498 = memref.load %arg9[%swap3A_497] : memref<1xf32, #tpu.memory_space<smem>>
      memref.store %add3A_496, %arg9[%swap3A_497] : memref<1xf32, #tpu.memory_space<smem>>
    } else {
    }
    %gt3A_364 = arith.constant 1024 : i32
    %gt3A_365 = arith.cmpi sgt, %get3A_25, %gt3A_364 : i32
    %convert_element_type3A_366 = arith.extui %gt3A_365 : i1 to i32
    %cond3A_367 = arith.constant 0 : i32
    %cond3A_368 = arith.cmpi ne, %convert_element_type3A_366, %cond3A_367 : i32
    scf.if %cond3A_368 {
      %slice3A_485 = vector.extract_strided_slice %concatenate3A_223 {offsets = [1024, 0], sizes = [256, 34], strides = [1, 1]} : vector<2048x34xf32> to vector<256x34xf32>
      %slice3A_486 = vector.extract_strided_slice %concatenate3A_227 {offsets = [1024, 0], sizes = [256, 34], strides = [1, 1]} : vector<2048x34xf32> to vector<256x34xf32>
      %dot_general3A_487 = arith.constant dense<0.000000e+00> : vector<256x256xf32>
      %dot_general3A_488 = tpu.matmul %slice3A_485, %slice3A_486, %dot_general3A_487 {dimension_numbers = #tpu.dot_dimension_numbers<[1], [1], [0], [0], [0, 0, 1, 0], [], []>, transpose_lhs_hint = false} : vector<256x34xf32>, vector<256x34xf32>, vector<256x256xf32> -> vector<256x256xf32>
      %exp23A = math.exp2 %dot_general3A_488 : vector<256x256xf32>
      %mul3A_489 = arith.mulf %exp23A, %convert_element_type3A_232 : vector<256x256xf32>
      %get3A_490 = arith.constant 0 : index
      %get3A_491 = memref.load %arg9[%get3A_490] : memref<1xf32, #tpu.memory_space<smem>>
      %reduce_sum3A_492 = vector.shape_cast %mul3A_489 : vector<256x256xf32> to vector<1x256x256xf32>
      %reduce_sum3A_493 = arith.constant dense<0.000000e+00> : vector<1xf32>
      %reduce_sum3A_494 = vector.multi_reduction <add>, %reduce_sum3A_492, %reduce_sum3A_493 [1, 2] : vector<1x256x256xf32> to vector<1xf32>
      %reduce_sum3A_495 = vector.shape_cast %reduce_sum3A_494 : vector<1xf32> to vector<1x1x1xf32>
      %reduce_sum3A_496 = vector.extract %reduce_sum3A_495[0, 0, 0] : f32 from vector<1x1x1xf32>
      %add3A_497 = arith.addf %get3A_491, %reduce_sum3A_496 : f32
      %swap3A_498 = arith.constant 0 : index
      %swap3A_499 = memref.load %arg9[%swap3A_498] : memref<1xf32, #tpu.memory_space<smem>>
      memref.store %add3A_497, %arg9[%swap3A_498] : memref<1xf32, #tpu.memory_space<smem>>
    } else {
    }
    %gt3A_369 = arith.constant 1280 : i32
    %gt3A_370 = arith.cmpi sgt, %get3A_25, %gt3A_369 : i32
    %convert_element_type3A_371 = arith.extui %gt3A_370 : i1 to i32
    %cond3A_372 = arith.constant 0 : i32
    %cond3A_373 = arith.cmpi ne, %convert_element_type3A_371, %cond3A_372 : i32
    scf.if %cond3A_373 {
      %slice3A_485 = vector.extract_strided_slice %concatenate3A_223 {offsets = [1024, 0], sizes = [256, 34], strides = [1, 1]} : vector<2048x34xf32> to vector<256x34xf32>
      %slice3A_486 = vector.extract_strided_slice %concatenate3A_227 {offsets = [1280, 0], sizes = [256, 34], strides = [1, 1]} : vector<2048x34xf32> to vector<256x34xf32>
      %dot_general3A_487 = arith.constant dense<0.000000e+00> : vector<256x256xf32>
      %dot_general3A_488 = tpu.matmul %slice3A_485, %slice3A_486, %dot_general3A_487 {dimension_numbers = #tpu.dot_dimension_numbers<[1], [1], [0], [0], [0, 0, 1, 0], [], []>, transpose_lhs_hint = false} : vector<256x34xf32>, vector<256x34xf32>, vector<256x256xf32> -> vector<256x256xf32>
      %exp23A = math.exp2 %dot_general3A_488 : vector<256x256xf32>
      %get3A_489 = arith.constant 0 : index
      %get3A_490 = memref.load %arg9[%get3A_489] : memref<1xf32, #tpu.memory_space<smem>>
      %reduce_sum3A_491 = vector.shape_cast %exp23A : vector<256x256xf32> to vector<1x256x256xf32>
      %reduce_sum3A_492 = arith.constant dense<0.000000e+00> : vector<1xf32>
      %reduce_sum3A_493 = vector.multi_reduction <add>, %reduce_sum3A_491, %reduce_sum3A_492 [1, 2] : vector<1x256x256xf32> to vector<1xf32>
      %reduce_sum3A_494 = vector.shape_cast %reduce_sum3A_493 : vector<1xf32> to vector<1x1x1xf32>
      %reduce_sum3A_495 = vector.extract %reduce_sum3A_494[0, 0, 0] : f32 from vector<1x1x1xf32>
      %add3A_496 = arith.addf %get3A_490, %reduce_sum3A_495 : f32
      %swap3A_497 = arith.constant 0 : index
      %swap3A_498 = memref.load %arg9[%swap3A_497] : memref<1xf32, #tpu.memory_space<smem>>
      memref.store %add3A_496, %arg9[%swap3A_497] : memref<1xf32, #tpu.memory_space<smem>>
    } else {
    }
    %gt3A_374 = arith.constant 1536 : i32
    %gt3A_375 = arith.cmpi sgt, %get3A_25, %gt3A_374 : i32
    %convert_element_type3A_376 = arith.extui %gt3A_375 : i1 to i32
    %cond3A_377 = arith.constant 0 : i32
    %cond3A_378 = arith.cmpi ne, %convert_element_type3A_376, %cond3A_377 : i32
    scf.if %cond3A_378 {
      %slice3A_485 = vector.extract_strided_slice %concatenate3A_223 {offsets = [1024, 0], sizes = [256, 34], strides = [1, 1]} : vector<2048x34xf32> to vector<256x34xf32>
      %slice3A_486 = vector.extract_strided_slice %concatenate3A_227 {offsets = [1536, 0], sizes = [256, 34], strides = [1, 1]} : vector<2048x34xf32> to vector<256x34xf32>
      %dot_general3A_487 = arith.constant dense<0.000000e+00> : vector<256x256xf32>
      %dot_general3A_488 = tpu.matmul %slice3A_485, %slice3A_486, %dot_general3A_487 {dimension_numbers = #tpu.dot_dimension_numbers<[1], [1], [0], [0], [0, 0, 1, 0], [], []>, transpose_lhs_hint = false} : vector<256x34xf32>, vector<256x34xf32>, vector<256x256xf32> -> vector<256x256xf32>
      %exp23A = math.exp2 %dot_general3A_488 : vector<256x256xf32>
      %get3A_489 = arith.constant 0 : index
      %get3A_490 = memref.load %arg9[%get3A_489] : memref<1xf32, #tpu.memory_space<smem>>
      %reduce_sum3A_491 = vector.shape_cast %exp23A : vector<256x256xf32> to vector<1x256x256xf32>
      %reduce_sum3A_492 = arith.constant dense<0.000000e+00> : vector<1xf32>
      %reduce_sum3A_493 = vector.multi_reduction <add>, %reduce_sum3A_491, %reduce_sum3A_492 [1, 2] : vector<1x256x256xf32> to vector<1xf32>
      %reduce_sum3A_494 = vector.shape_cast %reduce_sum3A_493 : vector<1xf32> to vector<1x1x1xf32>
      %reduce_sum3A_495 = vector.extract %reduce_sum3A_494[0, 0, 0] : f32 from vector<1x1x1xf32>
      %add3A_496 = arith.addf %get3A_490, %reduce_sum3A_495 : f32
      %swap3A_497 = arith.constant 0 : index
      %swap3A_498 = memref.load %arg9[%swap3A_497] : memref<1xf32, #tpu.memory_space<smem>>
      memref.store %add3A_496, %arg9[%swap3A_497] : memref<1xf32, #tpu.memory_space<smem>>
    } else {
    }
    %gt3A_379 = arith.constant 1792 : i32
    %gt3A_380 = arith.cmpi sgt, %get3A_25, %gt3A_379 : i32
    %convert_element_type3A_381 = arith.extui %gt3A_380 : i1 to i32
    %cond3A_382 = arith.constant 0 : i32
    %cond3A_383 = arith.cmpi ne, %convert_element_type3A_381, %cond3A_382 : i32
    scf.if %cond3A_383 {
      %slice3A_485 = vector.extract_strided_slice %concatenate3A_223 {offsets = [1024, 0], sizes = [256, 34], strides = [1, 1]} : vector<2048x34xf32> to vector<256x34xf32>
      %slice3A_486 = vector.extract_strided_slice %concatenate3A_227 {offsets = [1792, 0], sizes = [256, 34], strides = [1, 1]} : vector<2048x34xf32> to vector<256x34xf32>
      %dot_general3A_487 = arith.constant dense<0.000000e+00> : vector<256x256xf32>
      %dot_general3A_488 = tpu.matmul %slice3A_485, %slice3A_486, %dot_general3A_487 {dimension_numbers = #tpu.dot_dimension_numbers<[1], [1], [0], [0], [0, 0, 1, 0], [], []>, transpose_lhs_hint = false} : vector<256x34xf32>, vector<256x34xf32>, vector<256x256xf32> -> vector<256x256xf32>
      %exp23A = math.exp2 %dot_general3A_488 : vector<256x256xf32>
      %get3A_489 = arith.constant 0 : index
      %get3A_490 = memref.load %arg9[%get3A_489] : memref<1xf32, #tpu.memory_space<smem>>
      %reduce_sum3A_491 = vector.shape_cast %exp23A : vector<256x256xf32> to vector<1x256x256xf32>
      %reduce_sum3A_492 = arith.constant dense<0.000000e+00> : vector<1xf32>
      %reduce_sum3A_493 = vector.multi_reduction <add>, %reduce_sum3A_491, %reduce_sum3A_492 [1, 2] : vector<1x256x256xf32> to vector<1xf32>
      %reduce_sum3A_494 = vector.shape_cast %reduce_sum3A_493 : vector<1xf32> to vector<1x1x1xf32>
      %reduce_sum3A_495 = vector.extract %reduce_sum3A_494[0, 0, 0] : f32 from vector<1x1x1xf32>
      %add3A_496 = arith.addf %get3A_490, %reduce_sum3A_495 : f32
      %swap3A_497 = arith.constant 0 : index
      %swap3A_498 = memref.load %arg9[%swap3A_497] : memref<1xf32, #tpu.memory_space<smem>>
      memref.store %add3A_496, %arg9[%swap3A_497] : memref<1xf32, #tpu.memory_space<smem>>
    } else {
    }
    %gt3A_384 = arith.constant 1280 : i32
    %gt3A_385 = arith.cmpi sgt, %get3A_25, %gt3A_384 : i32
    %convert_element_type3A_386 = arith.extui %gt3A_385 : i1 to i32
    %cond3A_387 = arith.constant 0 : i32
    %cond3A_388 = arith.cmpi ne, %convert_element_type3A_386, %cond3A_387 : i32
    scf.if %cond3A_388 {
      %slice3A_485 = vector.extract_strided_slice %concatenate3A_223 {offsets = [1280, 0], sizes = [256, 34], strides = [1, 1]} : vector<2048x34xf32> to vector<256x34xf32>
      %slice3A_486 = vector.extract_strided_slice %concatenate3A_227 {offsets = [1280, 0], sizes = [256, 34], strides = [1, 1]} : vector<2048x34xf32> to vector<256x34xf32>
      %dot_general3A_487 = arith.constant dense<0.000000e+00> : vector<256x256xf32>
      %dot_general3A_488 = tpu.matmul %slice3A_485, %slice3A_486, %dot_general3A_487 {dimension_numbers = #tpu.dot_dimension_numbers<[1], [1], [0], [0], [0, 0, 1, 0], [], []>, transpose_lhs_hint = false} : vector<256x34xf32>, vector<256x34xf32>, vector<256x256xf32> -> vector<256x256xf32>
      %exp23A = math.exp2 %dot_general3A_488 : vector<256x256xf32>
      %mul3A_489 = arith.mulf %exp23A, %convert_element_type3A_232 : vector<256x256xf32>
      %get3A_490 = arith.constant 0 : index
      %get3A_491 = memref.load %arg9[%get3A_490] : memref<1xf32, #tpu.memory_space<smem>>
      %reduce_sum3A_492 = vector.shape_cast %mul3A_489 : vector<256x256xf32> to vector<1x256x256xf32>
      %reduce_sum3A_493 = arith.constant dense<0.000000e+00> : vector<1xf32>
      %reduce_sum3A_494 = vector.multi_reduction <add>, %reduce_sum3A_492, %reduce_sum3A_493 [1, 2] : vector<1x256x256xf32> to vector<1xf32>
      %reduce_sum3A_495 = vector.shape_cast %reduce_sum3A_494 : vector<1xf32> to vector<1x1x1xf32>
      %reduce_sum3A_496 = vector.extract %reduce_sum3A_495[0, 0, 0] : f32 from vector<1x1x1xf32>
      %add3A_497 = arith.addf %get3A_491, %reduce_sum3A_496 : f32
      %swap3A_498 = arith.constant 0 : index
      %swap3A_499 = memref.load %arg9[%swap3A_498] : memref<1xf32, #tpu.memory_space<smem>>
      memref.store %add3A_497, %arg9[%swap3A_498] : memref<1xf32, #tpu.memory_space<smem>>
    } else {
    }
    %gt3A_389 = arith.constant 1536 : i32
    %gt3A_390 = arith.cmpi sgt, %get3A_25, %gt3A_389 : i32
    %convert_element_type3A_391 = arith.extui %gt3A_390 : i1 to i32
    %cond3A_392 = arith.constant 0 : i32
    %cond3A_393 = arith.cmpi ne, %convert_element_type3A_391, %cond3A_392 : i32
    scf.if %cond3A_393 {
      %slice3A_485 = vector.extract_strided_slice %concatenate3A_223 {offsets = [1280, 0], sizes = [256, 34], strides = [1, 1]} : vector<2048x34xf32> to vector<256x34xf32>
      %slice3A_486 = vector.extract_strided_slice %concatenate3A_227 {offsets = [1536, 0], sizes = [256, 34], strides = [1, 1]} : vector<2048x34xf32> to vector<256x34xf32>
      %dot_general3A_487 = arith.constant dense<0.000000e+00> : vector<256x256xf32>
      %dot_general3A_488 = tpu.matmul %slice3A_485, %slice3A_486, %dot_general3A_487 {dimension_numbers = #tpu.dot_dimension_numbers<[1], [1], [0], [0], [0, 0, 1, 0], [], []>, transpose_lhs_hint = false} : vector<256x34xf32>, vector<256x34xf32>, vector<256x256xf32> -> vector<256x256xf32>
      %exp23A = math.exp2 %dot_general3A_488 : vector<256x256xf32>
      %get3A_489 = arith.constant 0 : index
      %get3A_490 = memref.load %arg9[%get3A_489] : memref<1xf32, #tpu.memory_space<smem>>
      %reduce_sum3A_491 = vector.shape_cast %exp23A : vector<256x256xf32> to vector<1x256x256xf32>
      %reduce_sum3A_492 = arith.constant dense<0.000000e+00> : vector<1xf32>
      %reduce_sum3A_493 = vector.multi_reduction <add>, %reduce_sum3A_491, %reduce_sum3A_492 [1, 2] : vector<1x256x256xf32> to vector<1xf32>
      %reduce_sum3A_494 = vector.shape_cast %reduce_sum3A_493 : vector<1xf32> to vector<1x1x1xf32>
      %reduce_sum3A_495 = vector.extract %reduce_sum3A_494[0, 0, 0] : f32 from vector<1x1x1xf32>
      %add3A_496 = arith.addf %get3A_490, %reduce_sum3A_495 : f32
      %swap3A_497 = arith.constant 0 : index
      %swap3A_498 = memref.load %arg9[%swap3A_497] : memref<1xf32, #tpu.memory_space<smem>>
      memref.store %add3A_496, %arg9[%swap3A_497] : memref<1xf32, #tpu.memory_space<smem>>
    } else {
    }
    %gt3A_394 = arith.constant 1792 : i32
    %gt3A_395 = arith.cmpi sgt, %get3A_25, %gt3A_394 : i32
    %convert_element_type3A_396 = arith.extui %gt3A_395 : i1 to i32
    %cond3A_397 = arith.constant 0 : i32
    %cond3A_398 = arith.cmpi ne, %convert_element_type3A_396, %cond3A_397 : i32
    scf.if %cond3A_398 {
      %slice3A_485 = vector.extract_strided_slice %concatenate3A_223 {offsets = [1280, 0], sizes = [256, 34], strides = [1, 1]} : vector<2048x34xf32> to vector<256x34xf32>
      %slice3A_486 = vector.extract_strided_slice %concatenate3A_227 {offsets = [1792, 0], sizes = [256, 34], strides = [1, 1]} : vector<2048x34xf32> to vector<256x34xf32>
      %dot_general3A_487 = arith.constant dense<0.000000e+00> : vector<256x256xf32>
      %dot_general3A_488 = tpu.matmul %slice3A_485, %slice3A_486, %dot_general3A_487 {dimension_numbers = #tpu.dot_dimension_numbers<[1], [1], [0], [0], [0, 0, 1, 0], [], []>, transpose_lhs_hint = false} : vector<256x34xf32>, vector<256x34xf32>, vector<256x256xf32> -> vector<256x256xf32>
      %exp23A = math.exp2 %dot_general3A_488 : vector<256x256xf32>
      %get3A_489 = arith.constant 0 : index
      %get3A_490 = memref.load %arg9[%get3A_489] : memref<1xf32, #tpu.memory_space<smem>>
      %reduce_sum3A_491 = vector.shape_cast %exp23A : vector<256x256xf32> to vector<1x256x256xf32>
      %reduce_sum3A_492 = arith.constant dense<0.000000e+00> : vector<1xf32>
      %reduce_sum3A_493 = vector.multi_reduction <add>, %reduce_sum3A_491, %reduce_sum3A_492 [1, 2] : vector<1x256x256xf32> to vector<1xf32>
      %reduce_sum3A_494 = vector.shape_cast %reduce_sum3A_493 : vector<1xf32> to vector<1x1x1xf32>
      %reduce_sum3A_495 = vector.extract %reduce_sum3A_494[0, 0, 0] : f32 from vector<1x1x1xf32>
      %add3A_496 = arith.addf %get3A_490, %reduce_sum3A_495 : f32
      %swap3A_497 = arith.constant 0 : index
      %swap3A_498 = memref.load %arg9[%swap3A_497] : memref<1xf32, #tpu.memory_space<smem>>
      memref.store %add3A_496, %arg9[%swap3A_497] : memref<1xf32, #tpu.memory_space<smem>>
    } else {
    }
    %gt3A_399 = arith.constant 1536 : i32
    %gt3A_400 = arith.cmpi sgt, %get3A_25, %gt3A_399 : i32
    %convert_element_type3A_401 = arith.extui %gt3A_400 : i1 to i32
    %cond3A_402 = arith.constant 0 : i32
    %cond3A_403 = arith.cmpi ne, %convert_element_type3A_401, %cond3A_402 : i32
    scf.if %cond3A_403 {
      %slice3A_485 = vector.extract_strided_slice %concatenate3A_223 {offsets = [1536, 0], sizes = [256, 34], strides = [1, 1]} : vector<2048x34xf32> to vector<256x34xf32>
      %slice3A_486 = vector.extract_strided_slice %concatenate3A_227 {offsets = [1536, 0], sizes = [256, 34], strides = [1, 1]} : vector<2048x34xf32> to vector<256x34xf32>
      %dot_general3A_487 = arith.constant dense<0.000000e+00> : vector<256x256xf32>
      %dot_general3A_488 = tpu.matmul %slice3A_485, %slice3A_486, %dot_general3A_487 {dimension_numbers = #tpu.dot_dimension_numbers<[1], [1], [0], [0], [0, 0, 1, 0], [], []>, transpose_lhs_hint = false} : vector<256x34xf32>, vector<256x34xf32>, vector<256x256xf32> -> vector<256x256xf32>
      %exp23A = math.exp2 %dot_general3A_488 : vector<256x256xf32>
      %mul3A_489 = arith.mulf %exp23A, %convert_element_type3A_232 : vector<256x256xf32>
      %get3A_490 = arith.constant 0 : index
      %get3A_491 = memref.load %arg9[%get3A_490] : memref<1xf32, #tpu.memory_space<smem>>
      %reduce_sum3A_492 = vector.shape_cast %mul3A_489 : vector<256x256xf32> to vector<1x256x256xf32>
      %reduce_sum3A_493 = arith.constant dense<0.000000e+00> : vector<1xf32>
      %reduce_sum3A_494 = vector.multi_reduction <add>, %reduce_sum3A_492, %reduce_sum3A_493 [1, 2] : vector<1x256x256xf32> to vector<1xf32>
      %reduce_sum3A_495 = vector.shape_cast %reduce_sum3A_494 : vector<1xf32> to vector<1x1x1xf32>
      %reduce_sum3A_496 = vector.extract %reduce_sum3A_495[0, 0, 0] : f32 from vector<1x1x1xf32>
      %add3A_497 = arith.addf %get3A_491, %reduce_sum3A_496 : f32
      %swap3A_498 = arith.constant 0 : index
      %swap3A_499 = memref.load %arg9[%swap3A_498] : memref<1xf32, #tpu.memory_space<smem>>
      memref.store %add3A_497, %arg9[%swap3A_498] : memref<1xf32, #tpu.memory_space<smem>>
    } else {
    }
    %gt3A_404 = arith.constant 1792 : i32
    %gt3A_405 = arith.cmpi sgt, %get3A_25, %gt3A_404 : i32
    %convert_element_type3A_406 = arith.extui %gt3A_405 : i1 to i32
    %cond3A_407 = arith.constant 0 : i32
    %cond3A_408 = arith.cmpi ne, %convert_element_type3A_406, %cond3A_407 : i32
    scf.if %cond3A_408 {
      %slice3A_485 = vector.extract_strided_slice %concatenate3A_223 {offsets = [1536, 0], sizes = [256, 34], strides = [1, 1]} : vector<2048x34xf32> to vector<256x34xf32>
      %slice3A_486 = vector.extract_strided_slice %concatenate3A_227 {offsets = [1792, 0], sizes = [256, 34], strides = [1, 1]} : vector<2048x34xf32> to vector<256x34xf32>
      %dot_general3A_487 = arith.constant dense<0.000000e+00> : vector<256x256xf32>
      %dot_general3A_488 = tpu.matmul %slice3A_485, %slice3A_486, %dot_general3A_487 {dimension_numbers = #tpu.dot_dimension_numbers<[1], [1], [0], [0], [0, 0, 1, 0], [], []>, transpose_lhs_hint = false} : vector<256x34xf32>, vector<256x34xf32>, vector<256x256xf32> -> vector<256x256xf32>
      %exp23A = math.exp2 %dot_general3A_488 : vector<256x256xf32>
      %get3A_489 = arith.constant 0 : index
      %get3A_490 = memref.load %arg9[%get3A_489] : memref<1xf32, #tpu.memory_space<smem>>
      %reduce_sum3A_491 = vector.shape_cast %exp23A : vector<256x256xf32> to vector<1x256x256xf32>
      %reduce_sum3A_492 = arith.constant dense<0.000000e+00> : vector<1xf32>
      %reduce_sum3A_493 = vector.multi_reduction <add>, %reduce_sum3A_491, %reduce_sum3A_492 [1, 2] : vector<1x256x256xf32> to vector<1xf32>
      %reduce_sum3A_494 = vector.shape_cast %reduce_sum3A_493 : vector<1xf32> to vector<1x1x1xf32>
      %reduce_sum3A_495 = vector.extract %reduce_sum3A_494[0, 0, 0] : f32 from vector<1x1x1xf32>
      %add3A_496 = arith.addf %get3A_490, %reduce_sum3A_495 : f32
      %swap3A_497 = arith.constant 0 : index
      %swap3A_498 = memref.load %arg9[%swap3A_497] : memref<1xf32, #tpu.memory_space<smem>>
      memref.store %add3A_496, %arg9[%swap3A_497] : memref<1xf32, #tpu.memory_space<smem>>
    } else {
    }
    %gt3A_409 = arith.constant 1792 : i32
    %gt3A_410 = arith.cmpi sgt, %get3A_25, %gt3A_409 : i32
    %convert_element_type3A_411 = arith.extui %gt3A_410 : i1 to i32
    %cond3A_412 = arith.constant 0 : i32
    %cond3A_413 = arith.cmpi ne, %convert_element_type3A_411, %cond3A_412 : i32
    scf.if %cond3A_413 {
      %slice3A_485 = vector.extract_strided_slice %concatenate3A_223 {offsets = [1792, 0], sizes = [256, 34], strides = [1, 1]} : vector<2048x34xf32> to vector<256x34xf32>
      %slice3A_486 = vector.extract_strided_slice %concatenate3A_227 {offsets = [1792, 0], sizes = [256, 34], strides = [1, 1]} : vector<2048x34xf32> to vector<256x34xf32>
      %dot_general3A_487 = arith.constant dense<0.000000e+00> : vector<256x256xf32>
      %dot_general3A_488 = tpu.matmul %slice3A_485, %slice3A_486, %dot_general3A_487 {dimension_numbers = #tpu.dot_dimension_numbers<[1], [1], [0], [0], [0, 0, 1, 0], [], []>, transpose_lhs_hint = false} : vector<256x34xf32>, vector<256x34xf32>, vector<256x256xf32> -> vector<256x256xf32>
      %exp23A = math.exp2 %dot_general3A_488 : vector<256x256xf32>
      %mul3A_489 = arith.mulf %exp23A, %convert_element_type3A_232 : vector<256x256xf32>
      %get3A_490 = arith.constant 0 : index
      %get3A_491 = memref.load %arg9[%get3A_490] : memref<1xf32, #tpu.memory_space<smem>>
      %reduce_sum3A_492 = vector.shape_cast %mul3A_489 : vector<256x256xf32> to vector<1x256x256xf32>
      %reduce_sum3A_493 = arith.constant dense<0.000000e+00> : vector<1xf32>
      %reduce_sum3A_494 = vector.multi_reduction <add>, %reduce_sum3A_492, %reduce_sum3A_493 [1, 2] : vector<1x256x256xf32> to vector<1xf32>
      %reduce_sum3A_495 = vector.shape_cast %reduce_sum3A_494 : vector<1xf32> to vector<1x1x1xf32>
      %reduce_sum3A_496 = vector.extract %reduce_sum3A_495[0, 0, 0] : f32 from vector<1x1x1xf32>
      %add3A_497 = arith.addf %get3A_491, %reduce_sum3A_496 : f32
      %swap3A_498 = arith.constant 0 : index
      %swap3A_499 = memref.load %arg9[%swap3A_498] : memref<1xf32, #tpu.memory_space<smem>>
      memref.store %add3A_497, %arg9[%swap3A_498] : memref<1xf32, #tpu.memory_space<smem>>
    } else {
    }
    %get3A_414 = arith.constant 0 : index
    %get3A_415 = memref.load %arg9[%get3A_414] : memref<1xf32, #tpu.memory_space<smem>>
    %mul3A_416 = arith.constant 2.000000e+00 : f32
    %mul3A_417 = arith.mulf %mul3A_416, %get3A_415 : f32
    %add3A_418 = arith.addf %reduce_sum3A_34, %mul3A_417 : f32
    %gt3A_419 = arith.constant 1.000000e+00 : f32
    %gt3A_420 = arith.cmpf ogt, %reduce_sum3A_34, %gt3A_419 : f32
    %mul3A_421 = arith.mulf %reduce_sum3A_34, %reduce_sum3A_34 : f32
    %max3A_422 = arith.constant 1.000000e+00 : f32
    %max3A_423 = arith.maximumf %mul3A_421, %max3A_422 : f32
    %div3A_424 = arith.divf %add3A_418, %max3A_423 : f32
    %jit3A_425 = arith.constant 0.000000e+00 : f32
    %select_n3A_426 = arith.select %gt3A_420, %div3A_424, %jit3A_425 : f32
    %mul3A_427 = arith.constant 1.000000e+00 : f32
    %mul3A_428 = arith.mulf %select_n3A_426, %mul3A_427 : f32
    %iota3A_429 = tpu.iota {dimensions = array<i32: 1>} : vector<1x128xi32>
    %add3A_430 = arith.addf %add3A_122, %mul3A_185 : f32
    %add3A_431 = arith.addf %add3A_430, %mul3A_428 : f32
    %mul3A_432 = arith.mulf %select_n3A, %add3A_431 : f32
    %eq3A_433 = arith.constant 0 : i32
    %eq3A_434 = vector.broadcast %eq3A_433 : i32 to vector<1x128xi32>
    %eq3A_435 = arith.cmpi eq, %iota3A_429, %eq3A_434 : vector<1x128xi32>
    %jit3A_436 = arith.constant 0.000000e+00 : f32
    %broadcast_in_dim3A_437 = vector.broadcast %mul3A_432 : f32 to vector<1x128xf32>
    %broadcast_in_dim3A_438 = vector.broadcast %jit3A_436 : f32 to vector<1x128xf32>
    %select_n3A_439 = arith.select %eq3A_435, %broadcast_in_dim3A_437, %broadcast_in_dim3A_438 : vector<1x128xi1>, vector<1x128xf32>
    %eq3A_440 = arith.constant 1 : i32
    %eq3A_441 = vector.broadcast %eq3A_440 : i32 to vector<1x128xi32>
    %eq3A_442 = arith.cmpi eq, %iota3A_429, %eq3A_441 : vector<1x128xi32>
    %mul3A_443 = arith.mulf %select_n3A, %add3A_122 : f32
    %jit3A_444 = arith.constant 0.000000e+00 : f32
    %broadcast_in_dim3A_445 = vector.broadcast %mul3A_443 : f32 to vector<1x128xf32>
    %broadcast_in_dim3A_446 = vector.broadcast %jit3A_444 : f32 to vector<1x128xf32>
    %select_n3A_447 = arith.select %eq3A_442, %broadcast_in_dim3A_445, %broadcast_in_dim3A_446 : vector<1x128xi1>, vector<1x128xf32>
    %add3A_448 = arith.addf %select_n3A_439, %select_n3A_447 : vector<1x128xf32>
    %eq3A_449 = arith.constant 2 : i32
    %eq3A_450 = vector.broadcast %eq3A_449 : i32 to vector<1x128xi32>
    %eq3A_451 = arith.cmpi eq, %iota3A_429, %eq3A_450 : vector<1x128xi32>
    %mul3A_452 = arith.mulf %select_n3A, %mul3A_185 : f32
    %jit3A_453 = arith.constant 0.000000e+00 : f32
    %broadcast_in_dim3A_454 = vector.broadcast %mul3A_452 : f32 to vector<1x128xf32>
    %broadcast_in_dim3A_455 = vector.broadcast %jit3A_453 : f32 to vector<1x128xf32>
    %select_n3A_456 = arith.select %eq3A_451, %broadcast_in_dim3A_454, %broadcast_in_dim3A_455 : vector<1x128xi1>, vector<1x128xf32>
    %add3A_457 = arith.addf %add3A_448, %select_n3A_456 : vector<1x128xf32>
    %eq3A_458 = arith.constant 3 : i32
    %eq3A_459 = vector.broadcast %eq3A_458 : i32 to vector<1x128xi32>
    %eq3A_460 = arith.cmpi eq, %iota3A_429, %eq3A_459 : vector<1x128xi32>
    %mul3A_461 = arith.mulf %select_n3A, %mul3A_428 : f32
    %jit3A_462 = arith.constant 0.000000e+00 : f32
    %broadcast_in_dim3A_463 = vector.broadcast %mul3A_461 : f32 to vector<1x128xf32>
    %broadcast_in_dim3A_464 = vector.broadcast %jit3A_462 : f32 to vector<1x128xf32>
    %select_n3A_465 = arith.select %eq3A_460, %broadcast_in_dim3A_463, %broadcast_in_dim3A_464 : vector<1x128xi1>, vector<1x128xf32>
    %add3A_466 = arith.addf %add3A_457, %select_n3A_465 : vector<1x128xf32>
    %eq3A_467 = arith.constant 4 : i32
    %eq3A_468 = vector.broadcast %eq3A_467 : i32 to vector<1x128xi32>
    %eq3A_469 = arith.cmpi eq, %iota3A_429, %eq3A_468 : vector<1x128xi32>
    %jit3A_470 = arith.constant 0.000000e+00 : f32
    %broadcast_in_dim3A_471 = vector.broadcast %select_n3A : f32 to vector<1x128xf32>
    %broadcast_in_dim3A_472 = vector.broadcast %jit3A_470 : f32 to vector<1x128xf32>
    %select_n3A_473 = arith.select %eq3A_469, %broadcast_in_dim3A_471, %broadcast_in_dim3A_472 : vector<1x128xi1>, vector<1x128xf32>
    %add3A_474 = arith.addf %add3A_466, %select_n3A_473 : vector<1x128xf32>
    %eq3A_475 = arith.constant 0 : i32
    %eq3A_476 = arith.cmpi eq, %arg0, %eq3A_475 : i32
    %convert_element_type3A_477 = arith.extui %eq3A_476 : i1 to i32
    %cond3A_478 = arith.constant 0 : i32
    %cond3A_479 = arith.cmpi ne, %convert_element_type3A_477, %cond3A_478 : i32
    scf.if %cond3A_479 {
      %swap3A_485 = arith.constant 0 : index
      %swap3A_486 = arith.constant 0 : index
      %swap3A_487 = arith.constant 0 : index
      %swap3A_488 = vector.load %arg8[%swap3A_485, %swap3A_486, %swap3A_487] : memref<1x1x128xf32, #tpu.memory_space<vmem>>, vector<1x1x128xf32>
      %swap3A_489 = vector.shape_cast %swap3A_488 : vector<1x1x128xf32> to vector<1x128xf32>
      %swap3A_490 = vector.shape_cast %add3A_474 : vector<1x128xf32> to vector<1x1x128xf32>
      tpu.vector_store %arg8[%swap3A_485, %swap3A_486, %swap3A_487], %swap3A_490 {strides = array<i32>} : memref<1x1x128xf32, #tpu.memory_space<vmem>>, vector<1x1x128xf32>,
    } else {
    }
    %gt3A_480 = arith.constant 0 : i32
    %gt3A_481 = arith.cmpi sgt, %arg0, %gt3A_480 : i32
    %convert_element_type3A_482 = arith.extui %gt3A_481 : i1 to i32
    %cond3A_483 = arith.constant 0 : i32
    %cond3A_484 = arith.cmpi ne, %convert_element_type3A_482, %cond3A_483 : i32
    scf.if %cond3A_484 {
      %get3A_485 = arith.constant 0 : index
      %get3A_486 = arith.constant 0 : index
      %get3A_487 = arith.constant 0 : index
      %get3A_488 = vector.load %arg8[%get3A_485, %get3A_486, %get3A_487] : memref<1x1x128xf32, #tpu.memory_space<vmem>>, vector<1x1x128xf32>
      %get3A_489 = vector.shape_cast %get3A_488 : vector<1x1x128xf32> to vector<1x128xf32>
      %add3A_490 = arith.addf %get3A_489, %add3A_474 : vector<1x128xf32>
      %eq3A_491 = arith.constant 7 : i32
      %eq3A_492 = arith.cmpi eq, %arg0, %eq3A_491 : i32
      %convert_element_type3A_493 = arith.extui %eq3A_492 : i1 to i32
      %cond3A_494 = arith.constant 0 : i32
      %cond3A_495 = arith.cmpi ne, %convert_element_type3A_493, %cond3A_494 : i32
      scf.if %cond3A_495 {
        %eq3A_501 = arith.constant 4 : i32
        %eq3A_502 = vector.broadcast %eq3A_501 : i32 to vector<1x128xi32>
        %eq3A_503 = arith.cmpi eq, %iota3A_429, %eq3A_502 : vector<1x128xi32>
        %jit3A_504 = arith.constant 0.000000e+00 : f32
        %broadcast_in_dim3A_505 = vector.broadcast %jit3A_504 : f32 to vector<1x128xf32>
        %select_n3A_506 = arith.select %eq3A_503, %add3A_490, %broadcast_in_dim3A_505 : vector<1x128xi1>, vector<1x128xf32>
        %reduce_sum3A_507 = vector.shape_cast %select_n3A_506 : vector<1x128xf32> to vector<1x1x128xf32>
        %reduce_sum3A_508 = arith.constant dense<0.000000e+00> : vector<1xf32>
        %reduce_sum3A_509 = vector.multi_reduction <add>, %reduce_sum3A_507, %reduce_sum3A_508 [1, 2] : vector<1x1x128xf32> to vector<1xf32>
        %reduce_sum3A_510 = vector.shape_cast %reduce_sum3A_509 : vector<1xf32> to vector<1x1x1xf32>
        %reduce_sum3A_511 = vector.extract %reduce_sum3A_510[0, 0, 0] : f32 from vector<1x1x1xf32>
        %max3A_512 = arith.constant 1.000000e+00 : f32
        %max3A_513 = arith.maximumf %reduce_sum3A_511, %max3A_512 : f32
        %gt3A_514 = arith.constant 0.000000e+00 : f32
        %gt3A_515 = arith.cmpf ogt, %reduce_sum3A_511, %gt3A_514 : f32
        %div3A_516 = arith.constant 1.000000e+00 : f32
        %div3A_517 = arith.divf %div3A_516, %max3A_513 : f32
        %jit3A_518 = arith.constant 0.000000e+00 : f32
        %select_n3A_519 = arith.select %gt3A_515, %div3A_517, %jit3A_518 : f32
        %mul3A_520 = vector.broadcast %select_n3A_519 : f32 to vector<1x128xf32>
        %mul3A_521 = arith.mulf %add3A_490, %mul3A_520 : vector<1x128xf32>
        %swap3A_522 = arith.constant 0 : index
        %swap3A_523 = arith.constant 0 : index
        %swap3A_524 = arith.constant 0 : index
        %swap3A_525 = vector.load %arg8[%swap3A_522, %swap3A_523, %swap3A_524] : memref<1x1x128xf32, #tpu.memory_space<vmem>>, vector<1x1x128xf32>
        %swap3A_526 = vector.shape_cast %swap3A_525 : vector<1x1x128xf32> to vector<1x128xf32>
        %swap3A_527 = vector.shape_cast %mul3A_521 : vector<1x128xf32> to vector<1x1x128xf32>
        tpu.vector_store %arg8[%swap3A_522, %swap3A_523, %swap3A_524], %swap3A_527 {strides = array<i32>} : memref<1x1x128xf32, #tpu.memory_space<vmem>>, vector<1x1x128xf32>,
      } else {
      }
      %lt3A_496 = arith.constant 7 : i32
      %lt3A_497 = arith.cmpi slt, %arg0, %lt3A_496 : i32
      %convert_element_type3A_498 = arith.extui %lt3A_497 : i1 to i32
      %cond3A_499 = arith.constant 0 : i32
      %cond3A_500 = arith.cmpi ne, %convert_element_type3A_498, %cond3A_499 : i32
      scf.if %cond3A_500 {
        %swap3A_501 = arith.constant 0 : index
        %swap3A_502 = arith.constant 0 : index
        %swap3A_503 = arith.constant 0 : index
        %swap3A_504 = vector.load %arg8[%swap3A_501, %swap3A_502, %swap3A_503] : memref<1x1x128xf32, #tpu.memory_space<vmem>>, vector<1x1x128xf32>
        %swap3A_505 = vector.shape_cast %swap3A_504 : vector<1x1x128xf32> to vector<1x128xf32>
        %swap3A_506 = vector.shape_cast %add3A_490 : vector<1x128xf32> to vector<1x1x128xf32>
        tpu.vector_store %arg8[%swap3A_501, %swap3A_502, %swap3A_503], %swap3A_506 {strides = array<i32>} : memref<1x1x128xf32, #tpu.memory_space<vmem>>, vector<1x1x128xf32>,
      } else {
      }
    } else {
    }
    return
  }
  func.func @transform_0(%arg0: i32, %arg1: memref<8xi32, #tpu.memory_space<smem>>) -> (i32, i32, i32) {
    %c0_i32 = arith.constant 0 : i32
    %c0_i32_0 = arith.constant 0 : i32
    %c0_i32_1 = arith.constant 0 : i32
    return %arg0, %c0_i32, %c0_i32_0 : i32, i32, i32
  }
  func.func @transform_1(%arg0: i32, %arg1: memref<8xi32, #tpu.memory_space<smem>>) -> (i32, i32, i32) {
    %c0_i32 = arith.constant 0 : i32
    %c0_i32_0 = arith.constant 0 : i32
    %c0_i32_1 = arith.constant 0 : i32
    return %arg0, %c0_i32, %c0_i32_0 : i32, i32, i32
  }
  func.func @transform_2(%arg0: i32, %arg1: memref<8xi32, #tpu.memory_space<smem>>) -> (i32, i32, i32) {
    %c0_i32 = arith.constant 0 : i32
    %c0_i32_0 = arith.constant 0 : i32
    %c0_i32_1 = arith.constant 0 : i32
    return %arg0, %c0_i32, %c0_i32_0 : i32, i32, i32
  }
  func.func @transform_3(%arg0: i32, %arg1: memref<8xi32, #tpu.memory_space<smem>>) -> (i32, i32, i32) {
    %c0_i32 = arith.constant 0 : i32
    %c0_i32_0 = arith.constant 0 : i32
    %c0_i32_1 = arith.constant 0 : i32
    return %arg0, %c0_i32, %c0_i32_0 : i32, i32, i32
  }
  func.func @transform_4(%arg0: i32, %arg1: memref<8xi32, #tpu.memory_space<smem>>) -> (i32, i32, i32) {
    %c0_i32 = arith.constant 0 : i32
    %c0_i32_0 = arith.constant 0 : i32
    %c0_i32_1 = arith.constant 0 : i32
    return %arg0, %c0_i32, %c0_i32_0 : i32, i32, i32
  }
  func.func @transform_5(%arg0: i32, %arg1: memref<8xi32, #tpu.memory_space<smem>>) -> (i32, i32, i32) {
    %c0_i32 = arith.constant 0 : i32
    %c0_i32_0 = arith.constant 0 : i32
    %c0_i32_1 = arith.constant 0 : i32
    return %arg0, %c0_i32, %c0_i32_0 : i32, i32, i32
  }
  func.func @transform_6(%arg0: i32, %arg1: memref<8xi32, #tpu.memory_space<smem>>) -> (i32, i32, i32) {
    %c0_i32 = arith.constant 0 : i32
    %c0_i32_0 = arith.constant 0 : i32
    %c0_i32_1 = arith.constant 0 : i32
    %c0_i32_2 = arith.constant 0 : i32
    return %c0_i32, %c0_i32_0, %c0_i32_1 : i32, i32, i32
  }
}

</mosaic_0001>

<sc_bundles>
// kernel: kernel.4.cloned.1.call-start
scs
__scs_entry_jumppad:
0x0: {  	(pc) =	sbr.rel $0x88, $3  }
0x1: {  	(tag) =	ssettag $0x0;
	lr =	simm.s32 $0x1  }
0x2: {  	[smem:$0x3F9D] =	sst lr;
	_ =	strace $0xD0000000  }
0x3: {  	_ = 	snop  }
0x4: {  	_ = 	snop  }
0x5: {  	_ = 	snop  }
0x6: {  	_ = 	snop  }
0x7: {  	_ = 	snop  }
__scs_overlays_trampoline_lowered:
0x8: {  	[smem:$0x3FAC] =	sst s0  }
0x9: {  	[smem:$0x3FAD] =	sst s1  }
0xa: {  	[smem:$0x3FAE] =	sst s2  }
0xb: {  	[smem:$0x3FAF] =	sst s3  }
0xc: {  	[smem:$0x3FB0] =	sst s4  }
0xd: {  	[smem:$0x3FB1] =	sst s5  }
0xe: {  	[smem:$0x3FB2] =	sst s6  }
0xf: {  	[smem:$0x3FB3] =	sst s7  }
0x10: {  	[smem:$0x3FB4] =	sst s8  }
0x11: {  	[smem:$0x3FB5] =	sst s9;
	s0 =	simm.s32 @!p0 $0x0  }
0x12: {  	s1 =	sld [smem:$0x3F9B];
	s0 =	simm.s32 @p0 $0x1  }
0x13: {  	[smem:$0x3FB6] =	sst s0;
	s0 =	simm.s32 @!p1 $0x0  }
0x14: {  	s2 =	sld [smem:$0x3F9A];
	s0 =	simm.s32 @p1 $0x1  }
0x15: {  	[smem:$0x3FB7] =	sst s0;
	s0 =	simm.s32 @!p2 $0x0  }
0x16: {  	s3 =	sld [smem:$0x3FDB];
	s0 =	simm.s32 @p2 $0x1  }
0x17: {  	s4 =	simm.s32 $0x1BF5;
	[smem:$0x3FB9] =	sst s0  }
0x18: {  	s0 =	sld [smem:$0x3F9C];
	_ =	swait.ge [sflag:s4], $0x0  }
0x19: {  	s7 =	sld [smem:$0x3F9D]  }
0x1a: {  	s8 =	sadd.s32 $0xFFFFE003, lr  }
0x1b: {  	s9 =	sadd.s32 $0xFFFFFEF7, lr;
	s5 =	simm.s32 $0xFFFFFFFF;
	p2 =	slt.u32 s8, $0xFFFFF086  }
0x1c: {  	p1 =	slt.u32 s9, $0xF7A;
	s5 =	simm.s32 @!p2 $0x0  }
0x1d: {  	s5 =	simm.s32 @p1 $0x1;
	p0 =	seq.s32 s7, s2  }
0x1e: {  	s7 =	smul.u32 @!p0 $0xF7A, s2;
	p2 =	seq.s32 @!p0 s5, $0x0  }
0x1f: {  	s9 =	smul.u32 $0xF7A, s1;
	s8 =	simm.s32 @!p0 $0x1BF5;
	p2 =	por !p2, p0  }
0x20: {  	[sflag:s8] =	ssyncset.s32 @!p0 $0xFFFFF086;
	s6 =	sadd.s32 @!p0 s3, s7;
	s7 =	simm.s32 @!p0 $0x108  }
0x21: {  	s3 =	sadd.s32 s3, s9;
	s6 =	sadd.s32 @!p0 $0x88, s6;
	s7 =	simm.s32 @p2 $0x1082  }
0x22: {  	[simem:s7], [sflag:s8] =	dma.local @!p0 [hbm:s6], $0xF7A  }
0x23: {  	s9 =	sor.u32 $0xD0000000, s2;
	s6 =	simm.s32 $0x108;
	_ =	swait.ge @!p0 [sflag:s8], $0x0  }
0x24: {  	s3 =	sadd.s32 $0x88, s3;
	s6 =	simm.s32 @!p1 $0x1082;
	[sflag:s4] =	ssyncset.s32 $0xFFFFF086  }
0x25: {  	[simem:s6], [sflag:s4] =	dma.local [hbm:s3], $0xF7A  }
0x26: {  	[smem:$0x3F9D] =	sst s1;
	(tag) =	ssettag s2;
	_ =	strace s9  }
0x27: {  	s1 =	sld [smem:$0x3FAD]  }
0x28: {  	s2 =	sld [smem:$0x3FAE]  }
0x29: {  	s4 =	sld [smem:$0x3FB0]  }
0x2a: {  	p0 =	seq.s32 s5, $0x0;
	s5 =	sld [smem:$0x3FB1]  }
0x2b: {  	s6 =	sld [smem:$0x3FB2]  }
0x2c: {  	s7 =	sld [smem:$0x3FB3]  }
0x2d: {  	s3 =	simm.s32 $0x108;
	s8 =	sld [smem:$0x3FB4]  }
0x2e: {  	s3 =	simm.s32 @!p0 $0x1082;
	s9 =	sld [smem:$0x3FB5]  }
0x2f: {  	lr =	sadd.s32 s0, s3;
	s0 =	sld [smem:$0x3FAC]  }
0x30: {  	s3 =	sld [smem:$0x3FAF]  }
0x31: {  	[smem:$0x3FB8] =	sst s10  }
0x32: {  	s10 =	sld [smem:$0x3FB6];
	_ =	sdelay $0x3  }
0x33: {  	p0 =	seq.s32 s10, $0x1;
	s10 =	sld [smem:$0x3FB8];
	_ =	sdelay $0x3  }
0x34: {  	[smem:$0x3FB8] =	sst s10  }
0x35: {  	s10 =	sld [smem:$0x3FB7];
	_ =	sdelay $0x3  }
0x36: {  	p1 =	seq.s32 s10, $0x1;
	s10 =	sld [smem:$0x3FB8];
	_ =	sdelay $0x3  }
0x37: {  	[smem:$0x3FB8] =	sst s10  }
0x38: {  	s10 =	sld [smem:$0x3FB9]  }
0x39: {  	_ = 	snop;
	(pc) =	sbr.ind lr, $3  }
0x3a: {  	_ = 	snop  }
0x3b: {  	_ = 	snop  }
0x3c: {  	p2 =	seq.s32 s10, $0x1;
	s10 =	sld [smem:$0x3FB8]  }
0x3d: {  	_ =	shalt  }
0x3e: {  	_ =	shalt  }
0x3f: {  	_ =	shalt  }
0x40: {  	_ =	shalt  }
0x41: {  	_ =	shalt  }
0x42: {  	_ =	shalt  }
0x43: {  	_ =	shalt  }
0x44: {  	_ =	shalt  }
0x45: {  	_ =	shalt  }
0x46: {  	_ =	shalt  }
0x47: {  	_ =	shalt  }
0x48: {  	_ =	shalt  }
0x49: {  	_ =	shalt  }
0x4a: {  	_ =	shalt  }
0x4b: {  	_ =	shalt  }
0x4c: {  	_ =	shalt  }
0x4d: {  	_ =	shalt  }
0x4e: {  	_ =	shalt  }
0x4f: {  	_ =	shalt  }
0x50: {  	_ =	shalt  }
0x51: {  	_ =	shalt  }
0x52: {  	_ =	shalt  }
0x53: {  	_ =	shalt  }
0x54: {  	_ =	shalt  }
0x55: {  	_ =	shalt  }
0x56: {  	_ =	shalt  }
0x57: {  	_ =	shalt  }
0x58: {  	_ =	shalt  }
0x59: {  	_ =	shalt  }
0x5a: {  	_ =	shalt  }
0x5b: {  	_ =	shalt  }
0x5c: {  	_ =	shalt  }
0x5d: {  	_ =	shalt  }
0x5e: {  	_ =	shalt  }
0x5f: {  	_ =	shalt  }
0x60: {  	_ =	shalt  }
0x61: {  	_ =	shalt  }
0x62: {  	_ =	shalt  }
0x63: {  	_ =	shalt  }
0x64: {  	_ =	shalt  }
0x65: {  	_ =	shalt  }
0x66: {  	_ =	shalt  }
0x67: {  	_ =	shalt  }
0x68: {  	_ =	shalt  }
0x69: {  	_ =	shalt  }
0x6a: {  	_ =	shalt  }
0x6b: {  	_ =	shalt  }
0x6c: {  	_ =	shalt  }
0x6d: {  	_ =	shalt  }
0x6e: {  	_ =	shalt  }
0x6f: {  	_ =	shalt  }
0x70: {  	_ =	shalt  }
0x71: {  	_ =	shalt  }
0x72: {  	_ =	shalt  }
0x73: {  	_ =	shalt  }
0x74: {  	_ =	shalt  }
0x75: {  	_ =	shalt  }
0x76: {  	_ =	shalt  }
0x77: {  	_ =	shalt  }
0x78: {  	_ =	shalt  }
0x79: {  	_ =	shalt  }
0x7a: {  	_ =	shalt  }
0x7b: {  	_ =	shalt  }
0x7c: {  	_ =	shalt  }
0x7d: {  	_ =	shalt  }
0x7e: {  	_ =	shalt  }
0x7f: {  	_ =	shalt  }
0x80: {  	_ =	shalt  }
0x81: {  	_ =	shalt  }
0x82: {  	_ =	shalt  }
0x83: {  	_ =	shalt  }
0x84: {  	_ =	shalt  }
0x85: {  	_ =	shalt  }
0x86: {  	_ =	shalt  }
0x87: {  	_ =	shalt  }
.Lfunc_end0:
.L_simem_size_0:
called_computation_lowered:
.L_overlay_start_0:
0x88: {  	s2 =	sld [smem:$0x3FD9]  }
0x89: {  	s3 =	sld [smem:$0x3FFE];
	_ =	sdelay $0x1  }
0x8a: {  	s1 =	srdreg.scid  }
0x8b: {  	s0 =	sand.u32 $0x1, s1  }
0x8c: {  	s14 =	sshll.u32 s0, $0xA;
	s2 =	sadd.s32 s3, s2  }
0x8d: {  	s2 =	sadd.s32 s2, s14  }
0x8e: {  	[smem:$0x3FC4] =	sst s2  }
0x8f: {  	_ = 	snop  }
0x90: {  	s2 =	sld [smem:$0x3FD0];
	_ =	sdelay $0x2  }
0x91: {  	s15 =	simm.s32 $0xA;
	s4 =	simm.s32 $0x10  }
0x92: {  	[smem:s4], [sflag:s15] =	dma.local [hbm:s2], $0x1  }
0x93: {  	_ =	swait.eq [sflag:s15], $0x1  }
0x94: {  	[sflag:s15] =	ssyncset.done $0x0  }
0x95: {  	[sflag:s15] =	ssyncadd.s32 $0xFFFFFFFF  }
0x96: {  	s16 =	sld [smem:$0x11];
	(tm) =	ssettm $0x1  }
0x97: {  	s17 =	sld [smem:$0x3FFB];
	_ =	sdelay $0x3  }
0x98: {  	_ =	strace s17  }
0x99: {  	s3 =	sld [smem:$0x3FFC];
	_ =	sdelay $0x3  }
0x9a: {  	_ =	strace s3  }
0x9b: {  	s3 =	sld [smem:$0x3FFD];
	_ =	sdelay $0x3  }
0x9c: {  	_ =	strace s3  }
0x9d: {  	_ =	strace $0x8FFFFFFF  }
0x9e: {  	s18 =	sld [smem:$0x3FDB];
	_ =	sdelay $0x1  }
0x9f: {  	s19 =	simm.s32 $_scs_section_size  }
0xa0: {  	s5 =	simm.s32 $_size__tile_overlayer_lowered;
	s6 =	simm.s32 $_tile_overlayer_lowered  }
0xa1: {  	s22 =	simm.s32 $0x1BFF;
	s21 =	sshll.u32 s6, $0x1;
	s3 =	sadd.s32 s19, s18  }
0xa2: {  	s7 =	simm.s32 $0x0;
	s20 =	sshll.u32 s5, $0x1;
	s5 =	sadd.s32 s21, s3  }
0xa3: {  	[timem:s7], [sflag:s22] =	dma.local [hbm:s5], s20  }
0xa4: {  	_ =	swait.ge [sflag:s22], s20  }
0xa5: {  	s4 =	ssub.s32 $0x0, s20;
	[sflag:s22] =	ssyncset.done $0x0  }
0xa6: {  	[sflag:s22] =	ssyncadd.s32 s4;
	_ =	sdelay $0x1  }
0xa7: {  	s23 =	simm.s32 $0x1B8B  }
0xa8: {  	_ =	swait.ge [sflag:s23], $0x1  }
0xa9: {  	[sflag:s23] =	ssyncset.done $0x0  }
0xaa: {  	s25 =	simm.s32 $0x1B8E;
	s24 =	sld [smem:$0x3FFE];
	[sflag:s23] =	ssyncadd.s32 $0xFFFFFFFF  }
0xab: {  	s26 =	simm.s32 $execute0_lowered;
	[smem:$0x3FD2] =	sst s25  }
0xac: {  	s5 =	sshll.u32 s26, $0x1;
	_ =	strace $0x80000046;
	[dreg:$0x1] =	wrdreg $0xFFFFFFFF  }
0xad: {  	s28 =	simm.s32 $_size_execute0_lowered;
	s3 =	sadd.s32 s3, s5;
	[dreg:$0x0] =	wrdreg $0x0  }
0xae: {  	s5 =	sshll.u32 s28, $0x1;
	[dreg:$0x2] =	wrdreg s3  }
0xaf: {  	[dreg:$0x3] =	wrdreg s5  }
0xb0: {  	[dreg:$0x4] =	wrdreg $0xC0  }
0xb1: {  	_ =	task [dreg:s7], $0x5FFFF  }
0xb2: {  	[dreg:$0x1] =	wrdreg $0xFFFFFFFF  }
0xb3: {  	[dreg:$0x0] =	wrdreg $0x60  }
0xb4: {  	[dreg:$0x2] =	wrdreg s24  }
0xb5: {  	[dreg:$0x3] =	wrdreg s16  }
0xb6: {  	[dreg:$0x4] =	wrdreg $0x9  }
0xb7: {  	_ =	task.clear_ibuf [dreg:s7], $0x5FFFF;
	_ =	strace $0x90000046  }
0xb8: {  	s29 =	simm.s32 $0x9;
	_ =	strace $0x80000048  }
0xb9: {  	_ =	swait.ge [sflag:s29], $0x1  }
0xba: {  	[sflag:s29] =	ssyncadd.s32 $0xFFFFFFFF  }
0xbb: {  	_ =	strace $0x90000048  }
0xbc: {  	_ =	sfence  }
0xbd: {  	s30 =	sld [smem:$0x0];
	_ =	sdelay $0x2  }
0xbe: {  	s31 =	sshll.u32 s1, $0xD;
	s1 =	sshrl.u32 s1, $0x2  }
0xbf: {  	s3 =	sand.u32 $0x4000, s31;
	s1 =	sadd.s32 s1, s30  }
0xc0: {  	s0 =	sor.u32 s3, s0;
	s1 =	sshll.u32 s1, $0x11  }
0xc1: {  	s0 =	sor.u32 s1, s0  }
0xc2: {  	s0 =	sadd.s32 $0x8F2B, s0  }
0xc3: {  	[sflag:s0] =	ssyncadd.remote.s32 $0x1  }
0xc4: {  	_ =	sfence.sel $0xFFFF  }
0xc5: {  	[dreg:$0x0] =	wrdreg $0xFFFFFFFF;
	(pc) =	sbr.abs _section_cstart, $3  }
0xc6: {  	[dreg:$0x1] =	wrdreg $0xFFFFFFFF  }
0xc7: {  	_ =	task.clear_ibuf [dreg:s7], $0x2FFFF;
	_ =	strace $0x9FFFFFFF  }
0xc8: {  	(tm) =	ssettm $0x7FFFFFFF  }
0xc9: {  	_ =	shalt  }
tec
execute0_lowered:
.L_overlay_start_1:
0x0: {  	(tag) =	ssettag $0x1  }
0x1: {  	s1 =	stileid.u32  }
0x2: {  	p0 =	sgt.u32 s1, $0x3  }
.Ltmp0:
0x3: {  	_ = 	snop;
	(pc) =	sbr.rel @p0 .LBB2_5-.Ltmp0, $4  }
0x4: {  	s3 =	rddreg [dreg:$0x0]  }
0x5: {  	s4 =	rddreg [dreg:$0x1];
	s2 =	simm.s32 $0x0  }
0x6: {  	[smem:$0x7FF] =	sst s2  }
0x7: {  	s0 =	rddreg [dreg:$0x2];
	_ =	strace $0x80000047  }
0x8: {  	v0 =	vimm.s32 $0xEDCBA987  }
0x9: {  	v1 =	vimm.s32 $0x65432100;
	v3 =	vimm.s32 $0x54321000;
	v4 =	vimm.s32 $0xDCBA9876  }
0xa: {  	v5 =	vimm.s32 $0xBA987654;
	v6 =	vimm.s32 $0x32100000;
	v7 =	vimm.s32 $0xE40000  }
0xb: {  	vm0 =	vmmov $0x3;
	vm1 =	vmmov $0xf;
	vm2 =	vcmask $0x3F30  }
0xc: {  	v0 =	vunpack.c.l.s4.s8 v0;
	v1 =	vunpack.c.l.s4.s8 v1;
	v4 =	vunpack.c.l.s4.s8 v4  }
0xd: {  	s5 =	srdreg.scid;
	v3 =	vunpack.c.l.s4.s8 v3;
	v5 =	vunpack.c.l.s4.s8 v5;
	v6 =	vunpack.c.l.s4.s8 v6  }
0xe: {  	s6 =	sshll.u32 s1, $0x1;
	s29 =	sadd.s32 $0xC00, s3;
	s5 =	sand.u32 $0x1, s5;
	v7 =	vunpack.c.l.s2.s4 v7;
	v2 =	vunpack.c.0.s8.s32 v0;
	v4 =	vunpack.c.0.s8.s32 v4  }
0xf: {  	s11 =	simm.s32 $0x800;
	s12 =	simm.s32 $0x1;
	s6 =	sor.u32 s5, s6;
	v1 =	vunpack.c.0.s8.s32 v1;
	v3 =	vunpack.c.0.s8.s32 v3;
	v5 =	vunpack.c.0.s8.s32 v5  }
0x10: {  	s13 =	simm.s32 $0x0;
	s5 =	ssub.s32 $0x2, s5;
	s7 =	sshll.u32 s6, $0xB;
	v6 =	vunpack.c.0.s8.s32 v6;
	v7 =	vunpack.c.l.s4.s8 v7;
	v4 =	vand.u32 $0xF, v4  }
0x11: {  	s8 =	sshll.u32 s6, $0xD;
	s9 =	sshllo.u32 s6, $0xB;
	s30 =	sshll.u32 s6, $0x1;
	v2 =	vand.u32 $0xF, v2;
	v3 =	vcombine.low v3, v4;
	v4 =	vand.u32 $0xF, v5  }
0x12: {  	s10 =	sshrl.u32 s5, $0x1;
	s6 =	sshll.u32 s6, $0x8;
	s8 =	sadd.s32 s8, s3;
	v7 =	vunpack.c.0.s8.s32 v7;
	v4 =	vcombine.low v6, v4;
	v6 =	vimm.s32 $0x7060504  }
0x13: {  	v0 =	vmov s7;
	s3 =	sadd.s32 $0x11400, s3;
	s4 =	sadd.s32 s4, s30;
	s31 =	ssub.s32 s5, s10;
	v1 =	vcombine.low v1, v2;
	v6 =	vunpack.c.0.s8.s32 v6  }
0x14: {  	s6 =	sadd.s32 s29, s6;
	s10 =	simm.s32 $0x1000;
	s5 =	sadd.s32 $0x1400, s8;
	v2 =	vmov s9;
	v5 =	vlaneseq.u32;
	v7 =	vand.u32 $0x3, v7  }
0x15: {  	s7 =	smax.u32 s31, $0x1;
	s8 =	simm.s32 $0x2;
	s9 =	simm.s32 $0x11000;
	v6 =	vsel vm2, v6, v7;
	vm2 =	vmmov $0xff;
	v7 =	vimm.s32 $0xF  }
.LBB2_2:
0x16: {  	s14 =	simm.s32 $0x0  }
0x17: {  	[tilespmem:s14], [sflag:$0x2] =	stream.linear.gather [hbm4b:s6+s14], $0x800, $0x38;
	[tilespmem:$0x11010] =	vst v63  }
0x18: {  	_ =	swait.ge [sflag:s8], $0x800  }
0x19: {  	[sflag:s8] =	ssyncset.done $0x0  }
0x1a: {  	s15 =	simm.s32 $0x0;
	[sflag:s8] =	ssyncadd.s32 $0xFFFFF800  }
0x1b: {  	v10 =	vld [tilespmem:s15+$0x0];
	_ =	sdelay $0x4  }
0x1c: {  	v14 =	vcvt.s32.f32 v10;
	_ =	sdelay $0x1  }
0x1d: {  	s14 =	simm.s32 $0x10;
	v9 =	vperm.xlane v14, v1  }
0x1e: {  	vm3 =	veq.s32 v5, $0x0;
	v8 =	vld [tilespmem:s14+$0x0]  }
0x1f: {  	v9 =	vsel vm3, $0x0, v9  }
0x20: {  	v9 =	vadd.f32 v14, v9;
	_ =	sdelay $0x1  }
0x21: {  	v11 =	vperm.xlane v9, v3  }
0x22: {  	v13 =	vcvt.s32.f32 v8  }
0x23: {  	v11 =	vsel vm0, $0x0, v11  }
0x24: {  	s16 =	simm.s32 $0x20;
	v12 =	vperm.xlane v13, v1;
	v11 =	vadd.f32 v11, v9  }
0x25: {  	v9 =	vld [tilespmem:s16+$0x0]  }
0x26: {  	v12 =	vsel vm3, $0x0, v12;
	v15 =	vperm.xlane v11, v4  }
0x27: {  	v16 =	vadd.f32 v13, v12  }
0x28: {  	v12 =	vsel vm1, $0x0, v15  }
0x29: {  	v15 =	vperm.xlane v16, v3;
	v17 =	vadd.f32 v12, v11  }
0x2a: {  	v12 =	vcvt.s32.f32 v9  }
0x2b: {  	s17 =	simm.s32 $0x30;
	v15 =	vsel vm0, $0x0, v15;
	v18 =	vperm.xlane v17, v6  }
0x2c: {  	v11 =	vld [tilespmem:s17+$0x0];
	v19 =	vperm.xlane v12, v1;
	v20 =	vadd.f32 v15, v16  }
0x2d: {  	v15 =	vsel vm2, $0x0, v18  }
0x2e: {  	v18 =	vsel vm3, $0x0, v19;
	v19 =	vperm.xlane v20, v4;
	v23 =	vadd.f32 v15, v17  }
0x2f: {  	v16 =	vimm.f32 $0.0e+00;
	v18 =	vadd.f32 v12, v18  }
0x30: {  	v17 =	vsel vm1, $0x0, v19;
	v19 =	vadd.f32 v23, v16  }
0x31: {  	v15 =	vcvt.s32.f32 v11;
	v21 =	vperm.xlane v18, v3;
	v17 =	vadd.f32 v17, v20  }
0x32: {  	v20 =	vsub.f32 v19, v14  }
0x33: {  	s18 =	simm.s32 $0x40;
	v22 =	vperm.xlane v15, v1;
	v19 =	vsel vm0, $0x0, v21;
	v21 =	vperm.xlane v17, v6  }
0x34: {  	s19 =	simm.s32 $0x140;
	v14 =	vld [tilespmem:s18+$0x0];
	v19 =	vadd.f32 v19, v18;
	v18 =	vtrunc.f32 v20;
	v20 =	vperm.xlane v23, v7  }
.LBB2_3:
0x35: {  	p0 =	sne.s32 s19, $0x1FC0;
	v22 =	vsel vm3, $0x0, v22;
	v21 =	vsel vm2, $0x0, v21;
	v18 =	vcvt.f32.s32 v18  }
0x36: {  	v23 =	vperm.xlane v19, v4;
	v24 =	vadd.f32 v21, v17;
	v16 =	vadd.f32 v20, v16  }
0x37: {  	vm4 =	vgt.s32 v10, $0x0;
	v10 =	vmovc v8;
	v8 =	vmovc v9;
	v20 =	vadd.f32 v15, v22;
	v17 =	vadd.s32 v18, v0  }
.Ltmp1:
0x38: {  	v9 =	vmovc v11;
	v18 =	vsel vm1, $0x0, v23;
	v21 =	vadd.f32 v24, v16;
	v22 =	vsel vm4, v17, v2;
	(pc) =	sbr.rel @p0 .LBB2_3-.Ltmp1, $4  }
0x39: {  	v25 =	vperm.xlane v20, v3;
	v23 =	vcvt.s32.f32 v14;
	v17 =	vadd.f32 v18, v19;
	[tilespmem:s15+$0x800] =	vst v22;
	v11 =	vmovc v14;
	s15 =	smov.u32 s14;
	s14 =	smov.u32 s16;
	s16 =	smov.u32 s17  }
0x3a: {  	s17 =	smov.u32 s18;
	v18 =	vsub.f32 v21, v13;
	v13 =	vmov v12;
	v12 =	vmov v15  }
0x3b: {  	s18 =	sshra.s32 s19, $0x2;
	v19 =	vsel vm0, $0x0, v25;
	v22 =	vperm.xlane v23, v1;
	v21 =	vperm.xlane v17, v6;
	v15 =	vmovc v23  }
0x3c: {  	s19 =	sadd.s32 $0x40, s19;
	v19 =	vadd.f32 v19, v20;
	v20 =	vperm.xlane v24, v7;
	v14 =	vld [tilespmem:s18+$0x0];
	v18 =	vtrunc.f32 v18  }
0x3d: {  	_ =	sdelay $0x3  }
0x3e: {  	v22 =	vsel vm3, $0x0, v22;
	v23 =	vcvt.s32.f32 v14  }
0x3f: {  	v22 =	vadd.f32 v15, v22  }
0x40: {  	v24 =	vperm.xlane v23, v1  }
0x41: {  	vm3 =	veq.s32 v5, $0x0;
	v25 =	vperm.xlane v22, v3  }
0x42: {  	v24 =	vsel vm3, $0x0, v24  }
0x43: {  	v26 =	vperm.xlane v19, v4;
	v25 =	vsel vm0, $0x0, v25;
	v24 =	vadd.f32 v23, v24  }
0x44: {  	v22 =	vadd.f32 v25, v22  }
0x45: {  	v36 =	vsel vm1, $0x0, v26;
	v37 =	vperm.xlane v24, v3  }
0x46: {  	v21 =	vsel vm2, $0x0, v21;
	v38 =	vadd.f32 v36, v19;
	v39 =	vperm.xlane v22, v4  }
0x47: {  	v17 =	vadd.f32 v21, v17;
	v40 =	vsel vm0, $0x0, v37  }
0x48: {  	v41 =	vperm.xlane v38, v6;
	v25 =	vsel vm1, $0x0, v39;
	v21 =	vadd.f32 v40, v24  }
0x49: {  	v16 =	vadd.f32 v20, v16;
	v42 =	vadd.f32 v25, v22  }
0x4a: {  	v43 =	vperm.xlane v17, v7;
	v24 =	vsel vm2, $0x0, v41;
	v44 =	vperm.xlane v21, v4  }
0x4b: {  	v45 =	vperm.xlane v42, v6;
	v19 =	vadd.f32 v24, v38  }
0x4c: {  	v17 =	vadd.f32 v17, v16;
	v16 =	vadd.f32 v43, v16;
	v46 =	vsel vm1, $0x0, v44  }
0x4d: {  	v24 =	vsel vm2, $0x0, v45;
	v47 =	vperm.xlane v19, v7;
	v21 =	vadd.f32 v46, v21  }
0x4e: {  	v20 =	vadd.f32 v24, v42  }
0x4f: {  	v18 =	vcvt.f32.s32 v18;
	v48 =	vadd.f32 v47, v16;
	v49 =	vperm.xlane v21, v6  }
0x50: {  	vm4 =	vgt.s32 v8, $0x0;
	v13 =	vsub.f32 v17, v13;
	v51 =	vperm.xlane v20, v7  }
0x51: {  	v50 =	vadd.f32 v19, v16;
	v52 =	vadd.f32 v20, v48;
	v53 =	vsel vm2, $0x0, v49  }
0x52: {  	vm15 =	vgt.s32 v11, $0x0;
	v16 =	vadd.f32 v51, v48;
	v20 =	vadd.f32 v53, v21  }
0x53: {  	v54 =	vadd.s32 v18, v0;
	v13 =	vtrunc.f32 v13;
	v8 =	vsub.f32 v50, v12  }
0x54: {  	vm3 =	vgt.s32 v10, $0x0;
	v13 =	vcvt.f32.s32 v13;
	v57 =	vadd.f32 v20, v16  }
0x55: {  	v58 =	vsel vm3, v54, v2;
	v8 =	vtrunc.f32 v8;
	v56 =	vsub.f32 v52, v15  }
0x56: {  	v55 =	vadd.s32 v13, v0;
	v8 =	vcvt.f32.s32 v8;
	v13 =	vsub.f32 v57, v23  }
0x57: {  	vm3 =	vgt.s32 v9, $0x0;
	v12 =	vtrunc.f32 v56;
	v60 =	vperm.xlane v20, v7  }
0x58: {  	v10 =	vsel vm4, v55, v2;
	v59 =	vcvt.f32.s32 v12;
	v61 =	vtrunc.f32 v13  }
0x59: {  	[tilespmem:s15+$0x800] =	vst v58;
	v8 =	vadd.s32 v8, v0;
	v12 =	vadd.f32 v60, v16;
	v11 =	vcvt.f32.s32 v61  }
0x5a: {  	[tilespmem:s14+$0x800] =	vst v10;
	v8 =	vsel vm3, v8, v2;
	vm3 =	vgt.s32 v14, $0x0;
	v9 =	vadd.s32 v59, v0  }
0x5b: {  	[tilespmem:s16+$0x800] =	vst v8;
	v9 =	vsel vm15, v9, v2;
	v62 =	vtrunc.f32 v12;
	v8 =	vadd.s32 v11, v0  }
0x5c: {  	[tilespmem:s17+$0x800] =	vst v9;
	v63 =	vcvt.f32.s32 v62;
	v8 =	vsel vm3, v8, v2  }
0x5d: {  	[tilespmem:s18+$0x800] =	vst v8  }
0x5e: {  	[tilespmem:$0x11000] =	vst v63  }
0x5f: {  	[hbm4b:s4+s2] =	stream.linear.scatter [tilespmem:s9], [sflag:$0x2], $0x10, $0x38;
	[tilespmem:$0x11010] =	vst v63  }
0x60: {  	_ =	swait.ge [sflag:s8], $0x10  }
0x61: {  	[sflag:s8] =	ssyncset.done $0x0  }
0x62: {  	[sflag:s8] =	ssyncadd.s32 $0xFFFFFFF0  }
0x63: {  	[tilespmem:s10], [sflag:$0x2] =	stream.linear.gather [hbm4b:s5+s2], $0x10000, $0x38;
	[tilespmem:$0x11010] =	vst v63  }
0x64: {  	s13 =	sadd.s32 $0x1, s13;
	_ =	swait.ge [sflag:s8], $0x10000  }
0x65: {  	p0 =	sne.s32 s13, s7;
	[sflag:s8] =	ssyncset.done $0x0  }
.Ltmp2:
0x66: {  	[sflag:s8] =	ssyncadd.s32 $0xFFFF0000;
	(pc) =	sbr.rel @p0 .LBB2_2-.Ltmp2, $4  }
0x67: {  	[hbm4b:s3+s11] =	stream.indirect.scatter [tilespmem:s10], [sflag:$0x1], $0x20, s11, s11, $0xb8;
	[tilespmem:$0x11010] =	vst v63  }
0x68: {  	_ =	swait.ge [sflag:s12], $0x10000  }
0x69: {  	[sflag:s12] =	ssyncset.done $0x0  }
0x6a: {  	[sflag:s12] =	ssyncadd.s32 $0xFFFF0000  }
.LBB2_5:
0x6b: {  	_ =	sfence.sel $0x180000  }
0x6c: {  	[bflag:$0x0] =	sbarrier.arrive $0xFFFF  }
0x6d: {  	p0 =	sne.s32 s1, $0x0;
	_ =	strace $0x90000047  }
0x6e: {  	s0 =	sadd.s32 @!p0 $0x100000, s0;
	[bflag:$0x2] =	sbarrier.arrive $0xFFFF  }
0x6f: {  	[sflag:s0] =	ssyncadd.tile.s32 @!p0 $0x1;
	_ =	shalt  }
.Lfunc_end2:
_tile_overlayer_lowered:
.L_overlay_start_2:
0x70: {  	(tag) =	ssettag $0x2  }
0x71: {  	s0 =	rddreg [dreg:$0x0];
	s2 =	stileid.u32  }
0x72: {  	s1 =	rddreg [dreg:$0x1];
	p0 =	sne.s32 s2, $0x0  }
0x73: {  	s3 =	rddreg [dreg:$0x2];
	[bflag:$0x3] =	sbarrier.arrive $0xFFFF;
	s2 =	simm.s32 @!p0 $0x1C02  }
0x74: {  	[timem:s3], [sflag:s2] =	dma.local @!p0 [hbm:s0], s1  }
0x75: {  	s0 =	simm.s32 @!p0 $0x2  }
0x76: {  	_ =	swait.ge @!p0 [sflag:s0], s1  }
0x77: {  	s1 =	ssub.s32 @!p0 $0x0, s1;
	[sflag:s0] =	ssyncset.done @!p0 $0x0  }
0x78: {  	[sflag:s0] =	ssyncadd.s32 @!p0 s1  }
0x79: {  	[bflag:$0x3] =	sbarrier.arrive $0xFFFF  }
0x7a: {  	_ =	shalt  }

</sc_bundles>
